<compile_context>
chip_gen: v7x
topology: tpu7x:2x2x1
jax: 0.10.2.dev20260603
libtpu: 0.0.44.dev20260713+nightly
codegen_flags: <defaults>
</compile_context>

<pallas_src>
import functools

import jax
import jax.numpy as jnp
from jax import lax
from jax.experimental import pallas as pl
from jax.experimental.pallas import tpu as pltpu
from jax.experimental.pallas import tpu_sc as plsc

D_TABLE = 128
BLK = 128
NUM_CORES = 2
NUM_SUBCORES = 16
NW = NUM_CORES * NUM_SUBCORES
K = 2
NBUF = 3


@functools.partial(jax.jit, static_argnames=("n_blocks",))
def _sc_gather(idx2d, pe, n_blocks):
    blocks_per_w = n_blocks // NW
    G = blocks_per_w // K
    assert G >= 7 and (G - 4) % NBUF == 0
    mesh = plsc.VectorSubcoreMesh(core_axis_name="c", subcore_axis_name="s")

    @functools.partial(
        pl.kernel,
        mesh=mesh,
        out_type=jax.ShapeDtypeStruct((n_blocks, BLK, D_TABLE), jnp.float32),
        scratch_types=(
            [pltpu.VMEM((K, BLK), jnp.int32)] * NBUF
            + [pltpu.VMEM((K, BLK, D_TABLE), jnp.float32)] * NBUF
            + [pltpu.VMEM_SHARED((1024, D_TABLE), jnp.float32)]
            + [pltpu.SemaphoreType.DMA] * (3 * NBUF)
        ),
    )
    def k(idx_hbm, pe_hbm, out_hbm, ib0, ib1, ib2, rb0, rb1, rb2, pe_sh,
          gs0, gs1, gs2, ss0, ss1, ss2, is0, is1, is2):
        ibs = (ib0, ib1, ib2)
        rbs = (rb0, rb1, rb2)
        gsem = (gs0, gs1, gs2)
        ssem = (ss0, ss1, ss2)
        isem = (is0, is1, is2)
        wid = lax.axis_index("s") * NUM_CORES + lax.axis_index("c")
        base = wid * blocks_per_w

        @pl.when(lax.axis_index("s") == 0)
        def _stage():
            pltpu.sync_copy(pe_hbm, pe_sh)

        plsc.subcore_barrier()

        def fire_g(g, b):
            for j in range(K):
                pltpu.async_copy(pe_sh.at[ibs[b].at[j]], rbs[b].at[j], gsem[b])

        def fire_store(g, b):
            pltpu.async_copy(rbs[b], out_hbm.at[pl.ds(base + g * K, K)], ssem[b])

        def fire_idx(g, b):
            pltpu.async_copy(idx_hbm.at[pl.ds(base + g * K, K)], ibs[b], isem[b])

        def wait_store(b):
            pltpu.make_async_copy(rbs[b], out_hbm.at[pl.ds(base, K)], ssem[b]).wait()

        def wait_gathers(b):
            for j in range(K):
                pltpu.make_async_copy(
                    out_hbm.at[base].at[pl.ds(0, BLK)], rbs[b].at[j], gsem[b]
                ).wait()

        def wait_idx(b):
            pltpu.make_async_copy(idx_hbm.at[pl.ds(base, K)], ibs[b], isem[b]).wait()

        pltpu.sync_copy(idx_hbm.at[pl.ds(base, K)], ibs[0])
        fire_g(0, 0)
        fire_idx(1, 1)
        wait_idx(1)
        fire_g(1, 1)
        fire_idx(2, 2)
        wait_gathers(0)
        fire_store(0, 0)
        wait_idx(2)
        fire_g(2, 2)
        fire_idx(3, 0)
        wait_gathers(1)
        fire_store(1, 1)

        def body(t, carry):
            g0 = 2 + NBUF * t
            for db in range(NBUF):
                g = g0 + db
                b = (2 + db) % NBUF
                bn = (b + 1) % NBUF
                bp = (b + 2) % NBUF
                wait_store(bn)
                wait_idx(bn)
                fire_g(g + 1, bn)
                fire_idx(g + 2, bp)
                wait_gathers(b)
                fire_store(g, b)
            return carry

        lax.fori_loop(0, (G - 4) // NBUF, body, 0)

        bL = (G - 2) % NBUF
        wait_store((bL + 1) % NBUF)
        wait_idx((bL + 1) % NBUF)
        fire_g(G - 1, (bL + 1) % NBUF)
        wait_gathers(bL)
        fire_store(G - 2, bL)
        wait_gathers((bL + 1) % NBUF)
        fire_store(G - 1, (bL + 1) % NBUF)
        wait_store((bL + 2) % NBUF)
        wait_store(bL)
        wait_store((bL + 1) % NBUF)

    return k(idx2d, pe)


def kernel(index, pe):
    index = index.astype(jnp.int32)
    b, t = index.shape
    n = b * t
    n_blocks = n // BLK
    idx2d = index.reshape(n_blocks, BLK)
    out = _sc_gather(idx2d, pe, n_blocks)
    return out.reshape(b, t, D_TABLE)

# --- scband reference (transcript-rebuilt; emitter-appended) ---
"""Pipeline reference for scband-positional-embedding-1666447311063 (READ-ONLY COPY).

The authoritative reference and input builder live on the scoring server;
editing this copy changes nothing except your own understanding.
"""

import jax, jax.numpy as jnp
import numpy as np
import math

D_MODEL = 128
MAX_LEN = 1024

def _build_pe():
    position = jnp.arange(0, MAX_LEN, dtype=jnp.float32)[:, None]
    div_term = jnp.exp(jnp.arange(0, D_MODEL, 2, dtype=jnp.float32) * -(math.log(10000.0) / D_MODEL))
    pe = jnp.zeros((MAX_LEN, D_MODEL), dtype=jnp.float32)
    pe = pe.at[:, 0::2].set(jnp.sin(position * div_term))
    pe = pe.at[:, 1::2].set(jnp.cos(position * div_term))
    return pe

def setup_inputs(seed: int = 0) -> dict:
    key = jax.random.key(seed)
    k1, _ = jax.random.split(key)
    index = jax.random.randint(k1, (16384, 200), 0, MAX_LEN, dtype=jnp.int64 if jax.config.jax_enable_x64 else jnp.int32)
    pe = _build_pe()
    return {"index": index, "pe": pe}

def reference(index, pe):
    # embedding lookup: gather rows of the (frozen) sinusoidal table
    return jnp.take(pe, index, axis=0)

if __name__ == "__main__":
    import jax
    _d = setup_inputs()
    print(jax.jit(kernel)(*tuple(_d.values())))

</pallas_src>

<mosaic_0001>
#map = affine_map<(d0, d1) -> (0, 0)>
#map1 = affine_map<(d0, d1) -> (0, 0, 0)>
module attributes {stable_mosaic.version = 14 : i64} {
  func.func @k(%arg0: i32, %arg1: i32, %arg2: memref<25600x128xi32, #tpu.memory_space<hbm>>, %arg3: memref<1024x128xf32, #tpu.memory_space<hbm>>, %arg4: memref<25600x128x128xf32, #tpu.memory_space<hbm>>, %arg5: memref<2x128xi32, #tpu.memory_space<vmem>>, %arg6: memref<2x128xi32, #tpu.memory_space<vmem>>, %arg7: memref<2x128xi32, #tpu.memory_space<vmem>>, %arg8: memref<2x128x128xf32, #tpu.memory_space<vmem>>, %arg9: memref<2x128x128xf32, #tpu.memory_space<vmem>>, %arg10: memref<2x128x128xf32, #tpu.memory_space<vmem>>, %arg11: memref<1024x128xf32, #tpu.memory_space<vmem_shared>>, %arg12: memref<!tpu.dma_semaphore, #tpu.memory_space<semaphore_mem>>, %arg13: memref<!tpu.dma_semaphore, #tpu.memory_space<semaphore_mem>>, %arg14: memref<!tpu.dma_semaphore, #tpu.memory_space<semaphore_mem>>, %arg15: memref<!tpu.dma_semaphore, #tpu.memory_space<semaphore_mem>>, %arg16: memref<!tpu.dma_semaphore, #tpu.memory_space<semaphore_mem>>, %arg17: memref<!tpu.dma_semaphore, #tpu.memory_space<semaphore_mem>>, %arg18: memref<!tpu.dma_semaphore, #tpu.memory_space<semaphore_mem>>, %arg19: memref<!tpu.dma_semaphore, #tpu.memory_space<semaphore_mem>>, %arg20: memref<!tpu.dma_semaphore, #tpu.memory_space<semaphore_mem>>) attributes {dimension_semantics = [#tpu.dimension_semantics<core_parallel>, #tpu.dimension_semantics<subcore_parallel>], iteration_bounds = array<i64: 2, 16>, scalar_prefetch = 0 : i64, scratch_operands = 16 : i64, tpu.core_type = #tpu.core_type<sc_vector_subcore>, window_params = [{transform_indices = #map}, {transform_indices = #map}, {transform_indices = #map1}]} {
    %mul3A = arith.constant 2 : i32
    %mul3A_0 = arith.muli %arg1, %mul3A : i32
    %add3A = arith.addi %mul3A_0, %arg0 : i32
    %mul3A_1 = arith.constant 800 : i32
    %mul3A_2 = arith.muli %add3A, %mul3A_1 : i32
    %eq3A = arith.constant 0 : i32
    %eq3A_3 = arith.cmpi eq, %arg1, %eq3A : i32
    %convert_element_type3A = arith.extui %eq3A_3 : i1 to i32
    %cond3A = arith.constant 0 : i32
    %cond3A_4 = arith.cmpi ne, %convert_element_type3A, %cond3A : i32
    scf.if %cond3A_4 {
      "tpu.region"() ({
        %run_scoped3A = tpu.sem_alloc : memref<!tpu.dma_semaphore, #tpu.memory_space<semaphore_mem>>
        tpu.enqueue_dma source(%arg3 : memref<1024x128xf32, #tpu.memory_space<hbm>>) target(%arg11 : memref<1024x128xf32, #tpu.memory_space<vmem_shared>>) target_semaphore(%run_scoped3A : memref<!tpu.dma_semaphore, #tpu.memory_space<semaphore_mem>>)
        tpu.wait_dma2 semaphore(%run_scoped3A : memref<!tpu.dma_semaphore, #tpu.memory_space<semaphore_mem>>) src(%arg3 : memref<1024x128xf32, #tpu.memory_space<hbm>>) dst(%arg11 : memref<1024x128xf32, #tpu.memory_space<vmem_shared>>)
        tpu.yield
      }) : () -> ()
    } else {
    }
    %barrier3A = arith.constant 0 : index
    tpu.barrier barrier_id(%barrier3A)
    "tpu.region"() ({
      %run_scoped3A = tpu.sem_alloc : memref<!tpu.dma_semaphore, #tpu.memory_space<semaphore_mem>>
      %dma_start3A_374 = arith.constant 0 : i32
      %dma_start3A_375 = tpu.memref_slice %arg2[%mul3A_2, %dma_start3A_374] : memref<25600x128xi32, #tpu.memory_space<hbm>> -> memref<2x128xi32, #tpu.memory_space<hbm>>
      %dma_start3A_376 = arith.constant 0 : i32
      %dma_start3A_377 = tpu.memref_slice %arg2[%mul3A_2, %dma_start3A_376] : memref<25600x128xi32, #tpu.memory_space<hbm>> -> memref<2x128xi32, #tpu.memory_space<hbm>>
      tpu.enqueue_dma source(%dma_start3A_377 : memref<2x128xi32, #tpu.memory_space<hbm>>) target(%arg5 : memref<2x128xi32, #tpu.memory_space<vmem>>) target_semaphore(%run_scoped3A : memref<!tpu.dma_semaphore, #tpu.memory_space<semaphore_mem>>)
      %dma_wait3A_378 = arith.constant 0 : i32
      %dma_wait3A_379 = tpu.memref_slice %arg2[%mul3A_2, %dma_wait3A_378] : memref<25600x128xi32, #tpu.memory_space<hbm>> -> memref<2x128xi32, #tpu.memory_space<hbm>>
      %dma_wait3A_380 = arith.constant 0 : i32
      %dma_wait3A_381 = tpu.memref_slice %arg2[%mul3A_2, %dma_wait3A_380] : memref<25600x128xi32, #tpu.memory_space<hbm>> -> memref<2x128xi32, #tpu.memory_space<hbm>>
      tpu.wait_dma2 semaphore(%run_scoped3A : memref<!tpu.dma_semaphore, #tpu.memory_space<semaphore_mem>>) src(%dma_wait3A_381 : memref<2x128xi32, #tpu.memory_space<hbm>>) dst(%arg5 : memref<2x128xi32, #tpu.memory_space<vmem>>)
      tpu.yield
    }) : () -> ()
    %dma_start3A = arith.constant 0 : i32
    %dma_start3A_5 = arith.constant 0 : i32
    %dma_start3A_6 = arith.constant 0 : i32
    %dma_start3A_7 = arith.constant 0 : i32
    %dma_start3A_8 = tpu.memref_slice %arg8[%dma_start3A_5, %dma_start3A_6, %dma_start3A_7] : memref<2x128x128xf32, #tpu.memory_space<vmem>> -> memref<1x128x128xf32, #tpu.memory_space<vmem>>
    %dma_start3A_9 = tpu.memref_squeeze %dma_start3A_8 : memref<1x128x128xf32, #tpu.memory_space<vmem>> -> memref<128x128xf32, #tpu.memory_space<vmem>>
    %dma_start3A_10 = arith.constant 0 : i32
    %dma_start3A_11 = tpu.memref_slice %arg5[%dma_start3A, %dma_start3A_10] : memref<2x128xi32, #tpu.memory_space<vmem>> -> memref<1x128xi32, #tpu.memory_space<vmem>>
    %dma_start3A_12 = tpu.memref_squeeze %dma_start3A_11 : memref<1x128xi32, #tpu.memory_space<vmem>> -> memref<128xi32, #tpu.memory_space<vmem>>
    %dma_start3A_13 = arith.constant 0 : i32
    %dma_start3A_14 = arith.constant 0 : i32
    %dma_start3A_15 = tpu.memref_slice %arg11[%dma_start3A_13, %dma_start3A_14] : memref<1024x128xf32, #tpu.memory_space<vmem_shared>> -> memref<1024x128xf32, #tpu.memory_space<vmem_shared>>
    tpu.enqueue_indirect_dma source(%dma_start3A_15 : memref<1024x128xf32, #tpu.memory_space<vmem_shared>>) target(%dma_start3A_9 : memref<128x128xf32, #tpu.memory_space<vmem>>) offsets(%dma_start3A_12 : memref<128xi32, #tpu.memory_space<vmem>>) semaphore(%arg12 : memref<!tpu.dma_semaphore, #tpu.memory_space<semaphore_mem>>)
    %dma_start3A_16 = arith.constant 1 : i32
    %dma_start3A_17 = arith.constant 1 : i32
    %dma_start3A_18 = arith.constant 0 : i32
    %dma_start3A_19 = arith.constant 0 : i32
    %dma_start3A_20 = tpu.memref_slice %arg8[%dma_start3A_17, %dma_start3A_18, %dma_start3A_19] : memref<2x128x128xf32, #tpu.memory_space<vmem>> -> memref<1x128x128xf32, #tpu.memory_space<vmem>>
    %dma_start3A_21 = tpu.memref_squeeze %dma_start3A_20 : memref<1x128x128xf32, #tpu.memory_space<vmem>> -> memref<128x128xf32, #tpu.memory_space<vmem>>
    %dma_start3A_22 = arith.constant 0 : i32
    %dma_start3A_23 = tpu.memref_slice %arg5[%dma_start3A_16, %dma_start3A_22] : memref<2x128xi32, #tpu.memory_space<vmem>> -> memref<1x128xi32, #tpu.memory_space<vmem>>
    %dma_start3A_24 = tpu.memref_squeeze %dma_start3A_23 : memref<1x128xi32, #tpu.memory_space<vmem>> -> memref<128xi32, #tpu.memory_space<vmem>>
    %dma_start3A_25 = arith.constant 0 : i32
    %dma_start3A_26 = arith.constant 0 : i32
    %dma_start3A_27 = tpu.memref_slice %arg11[%dma_start3A_25, %dma_start3A_26] : memref<1024x128xf32, #tpu.memory_space<vmem_shared>> -> memref<1024x128xf32, #tpu.memory_space<vmem_shared>>
    tpu.enqueue_indirect_dma source(%dma_start3A_27 : memref<1024x128xf32, #tpu.memory_space<vmem_shared>>) target(%dma_start3A_21 : memref<128x128xf32, #tpu.memory_space<vmem>>) offsets(%dma_start3A_24 : memref<128xi32, #tpu.memory_space<vmem>>) semaphore(%arg12 : memref<!tpu.dma_semaphore, #tpu.memory_space<semaphore_mem>>)
    %add3A_28 = arith.constant 2 : i32
    %add3A_29 = arith.addi %mul3A_2, %add3A_28 : i32
    %dma_start3A_30 = arith.constant 0 : i32
    %dma_start3A_31 = tpu.memref_slice %arg2[%add3A_29, %dma_start3A_30] : memref<25600x128xi32, #tpu.memory_space<hbm>> -> memref<2x128xi32, #tpu.memory_space<hbm>>
    %dma_start3A_32 = arith.constant 0 : i32
    %dma_start3A_33 = tpu.memref_slice %arg2[%add3A_29, %dma_start3A_32] : memref<25600x128xi32, #tpu.memory_space<hbm>> -> memref<2x128xi32, #tpu.memory_space<hbm>>
    tpu.enqueue_dma source(%dma_start3A_33 : memref<2x128xi32, #tpu.memory_space<hbm>>) target(%arg6 : memref<2x128xi32, #tpu.memory_space<vmem>>) target_semaphore(%arg19 : memref<!tpu.dma_semaphore, #tpu.memory_space<semaphore_mem>>)
    %dma_wait3A = arith.constant 0 : i32
    %dma_wait3A_34 = tpu.memref_slice %arg2[%mul3A_2, %dma_wait3A] : memref<25600x128xi32, #tpu.memory_space<hbm>> -> memref<2x128xi32, #tpu.memory_space<hbm>>
    %dma_wait3A_35 = arith.constant 0 : i32
    %dma_wait3A_36 = tpu.memref_slice %arg2[%mul3A_2, %dma_wait3A_35] : memref<25600x128xi32, #tpu.memory_space<hbm>> -> memref<2x128xi32, #tpu.memory_space<hbm>>
    tpu.wait_dma2 semaphore(%arg19 : memref<!tpu.dma_semaphore, #tpu.memory_space<semaphore_mem>>) src(%dma_wait3A_36 : memref<2x128xi32, #tpu.memory_space<hbm>>) dst(%arg6 : memref<2x128xi32, #tpu.memory_space<vmem>>)
    %dma_start3A_37 = arith.constant 0 : i32
    %dma_start3A_38 = arith.constant 0 : i32
    %dma_start3A_39 = arith.constant 0 : i32
    %dma_start3A_40 = arith.constant 0 : i32
    %dma_start3A_41 = tpu.memref_slice %arg9[%dma_start3A_38, %dma_start3A_39, %dma_start3A_40] : memref<2x128x128xf32, #tpu.memory_space<vmem>> -> memref<1x128x128xf32, #tpu.memory_space<vmem>>
    %dma_start3A_42 = tpu.memref_squeeze %dma_start3A_41 : memref<1x128x128xf32, #tpu.memory_space<vmem>> -> memref<128x128xf32, #tpu.memory_space<vmem>>
    %dma_start3A_43 = arith.constant 0 : i32
    %dma_start3A_44 = tpu.memref_slice %arg6[%dma_start3A_37, %dma_start3A_43] : memref<2x128xi32, #tpu.memory_space<vmem>> -> memref<1x128xi32, #tpu.memory_space<vmem>>
    %dma_start3A_45 = tpu.memref_squeeze %dma_start3A_44 : memref<1x128xi32, #tpu.memory_space<vmem>> -> memref<128xi32, #tpu.memory_space<vmem>>
    %dma_start3A_46 = arith.constant 0 : i32
    %dma_start3A_47 = arith.constant 0 : i32
    %dma_start3A_48 = tpu.memref_slice %arg11[%dma_start3A_46, %dma_start3A_47] : memref<1024x128xf32, #tpu.memory_space<vmem_shared>> -> memref<1024x128xf32, #tpu.memory_space<vmem_shared>>
    tpu.enqueue_indirect_dma source(%dma_start3A_48 : memref<1024x128xf32, #tpu.memory_space<vmem_shared>>) target(%dma_start3A_42 : memref<128x128xf32, #tpu.memory_space<vmem>>) offsets(%dma_start3A_45 : memref<128xi32, #tpu.memory_space<vmem>>) semaphore(%arg13 : memref<!tpu.dma_semaphore, #tpu.memory_space<semaphore_mem>>)
    %dma_start3A_49 = arith.constant 1 : i32
    %dma_start3A_50 = arith.constant 1 : i32
    %dma_start3A_51 = arith.constant 0 : i32
    %dma_start3A_52 = arith.constant 0 : i32
    %dma_start3A_53 = tpu.memref_slice %arg9[%dma_start3A_50, %dma_start3A_51, %dma_start3A_52] : memref<2x128x128xf32, #tpu.memory_space<vmem>> -> memref<1x128x128xf32, #tpu.memory_space<vmem>>
    %dma_start3A_54 = tpu.memref_squeeze %dma_start3A_53 : memref<1x128x128xf32, #tpu.memory_space<vmem>> -> memref<128x128xf32, #tpu.memory_space<vmem>>
    %dma_start3A_55 = arith.constant 0 : i32
    %dma_start3A_56 = tpu.memref_slice %arg6[%dma_start3A_49, %dma_start3A_55] : memref<2x128xi32, #tpu.memory_space<vmem>> -> memref<1x128xi32, #tpu.memory_space<vmem>>
    %dma_start3A_57 = tpu.memref_squeeze %dma_start3A_56 : memref<1x128xi32, #tpu.memory_space<vmem>> -> memref<128xi32, #tpu.memory_space<vmem>>
    %dma_start3A_58 = arith.constant 0 : i32
    %dma_start3A_59 = arith.constant 0 : i32
    %dma_start3A_60 = tpu.memref_slice %arg11[%dma_start3A_58, %dma_start3A_59] : memref<1024x128xf32, #tpu.memory_space<vmem_shared>> -> memref<1024x128xf32, #tpu.memory_space<vmem_shared>>
    tpu.enqueue_indirect_dma source(%dma_start3A_60 : memref<1024x128xf32, #tpu.memory_space<vmem_shared>>) target(%dma_start3A_54 : memref<128x128xf32, #tpu.memory_space<vmem>>) offsets(%dma_start3A_57 : memref<128xi32, #tpu.memory_space<vmem>>) semaphore(%arg13 : memref<!tpu.dma_semaphore, #tpu.memory_space<semaphore_mem>>)
    %add3A_61 = arith.constant 4 : i32
    %add3A_62 = arith.addi %mul3A_2, %add3A_61 : i32
    %dma_start3A_63 = arith.constant 0 : i32
    %dma_start3A_64 = tpu.memref_slice %arg2[%add3A_62, %dma_start3A_63] : memref<25600x128xi32, #tpu.memory_space<hbm>> -> memref<2x128xi32, #tpu.memory_space<hbm>>
    %dma_start3A_65 = arith.constant 0 : i32
    %dma_start3A_66 = tpu.memref_slice %arg2[%add3A_62, %dma_start3A_65] : memref<25600x128xi32, #tpu.memory_space<hbm>> -> memref<2x128xi32, #tpu.memory_space<hbm>>
    tpu.enqueue_dma source(%dma_start3A_66 : memref<2x128xi32, #tpu.memory_space<hbm>>) target(%arg7 : memref<2x128xi32, #tpu.memory_space<vmem>>) target_semaphore(%arg20 : memref<!tpu.dma_semaphore, #tpu.memory_space<semaphore_mem>>)
    %dma_wait3A_67 = arith.constant 0 : i32
    %dma_wait3A_68 = arith.constant 0 : i32
    %dma_wait3A_69 = arith.constant 0 : i32
    %dma_wait3A_70 = tpu.memref_slice %arg8[%dma_wait3A_67, %dma_wait3A_68, %dma_wait3A_69] : memref<2x128x128xf32, #tpu.memory_space<vmem>> -> memref<1x128x128xf32, #tpu.memory_space<vmem>>
    %dma_wait3A_71 = tpu.memref_squeeze %dma_wait3A_70 : memref<1x128x128xf32, #tpu.memory_space<vmem>> -> memref<128x128xf32, #tpu.memory_space<vmem>>
    %dma_wait3A_72 = arith.constant 0 : i32
    %dma_wait3A_73 = arith.constant 0 : i32
    %dma_wait3A_74 = tpu.memref_slice %arg4[%mul3A_2, %dma_wait3A_72, %dma_wait3A_73] : memref<25600x128x128xf32, #tpu.memory_space<hbm>> -> memref<1x128x128xf32, #tpu.memory_space<hbm>>
    %dma_wait3A_75 = tpu.memref_squeeze %dma_wait3A_74 : memref<1x128x128xf32, #tpu.memory_space<hbm>> -> memref<128x128xf32, #tpu.memory_space<hbm>>
    %dma_wait3A_76 = arith.constant 0 : i32
    %dma_wait3A_77 = arith.constant 0 : i32
    %dma_wait3A_78 = tpu.memref_slice %dma_wait3A_75[%dma_wait3A_76, %dma_wait3A_77] : memref<128x128xf32, #tpu.memory_space<hbm>> -> memref<128x128xf32, #tpu.memory_space<hbm>>
    %dma_wait3A_79 = arith.constant 0 : i32
    %dma_wait3A_80 = arith.constant 0 : i32
    %dma_wait3A_81 = tpu.memref_slice %arg8[%dma_wait3A_67, %dma_wait3A_79, %dma_wait3A_80] : memref<2x128x128xf32, #tpu.memory_space<vmem>> -> memref<1x128x128xf32, #tpu.memory_space<vmem>>
    %dma_wait3A_82 = tpu.memref_squeeze %dma_wait3A_81 : memref<1x128x128xf32, #tpu.memory_space<vmem>> -> memref<128x128xf32, #tpu.memory_space<vmem>>
    %dma_wait3A_83 = arith.constant 0 : i32
    %dma_wait3A_84 = arith.constant 0 : i32
    %dma_wait3A_85 = tpu.memref_slice %arg4[%mul3A_2, %dma_wait3A_83, %dma_wait3A_84] : memref<25600x128x128xf32, #tpu.memory_space<hbm>> -> memref<1x128x128xf32, #tpu.memory_space<hbm>>
    %dma_wait3A_86 = tpu.memref_squeeze %dma_wait3A_85 : memref<1x128x128xf32, #tpu.memory_space<hbm>> -> memref<128x128xf32, #tpu.memory_space<hbm>>
    %dma_wait3A_87 = arith.constant 0 : i32
    %dma_wait3A_88 = arith.constant 0 : i32
    %dma_wait3A_89 = tpu.memref_slice %dma_wait3A_86[%dma_wait3A_87, %dma_wait3A_88] : memref<128x128xf32, #tpu.memory_space<hbm>> -> memref<128x128xf32, #tpu.memory_space<hbm>>
    tpu.wait_dma2 semaphore(%arg12 : memref<!tpu.dma_semaphore, #tpu.memory_space<semaphore_mem>>) src(%dma_wait3A_89 : memref<128x128xf32, #tpu.memory_space<hbm>>) dst(%dma_wait3A_82 : memref<128x128xf32, #tpu.memory_space<vmem>>)
    %dma_wait3A_90 = arith.constant 1 : i32
    %dma_wait3A_91 = arith.constant 0 : i32
    %dma_wait3A_92 = arith.constant 0 : i32
    %dma_wait3A_93 = tpu.memref_slice %arg8[%dma_wait3A_90, %dma_wait3A_91, %dma_wait3A_92] : memref<2x128x128xf32, #tpu.memory_space<vmem>> -> memref<1x128x128xf32, #tpu.memory_space<vmem>>
    %dma_wait3A_94 = tpu.memref_squeeze %dma_wait3A_93 : memref<1x128x128xf32, #tpu.memory_space<vmem>> -> memref<128x128xf32, #tpu.memory_space<vmem>>
    %dma_wait3A_95 = arith.constant 0 : i32
    %dma_wait3A_96 = arith.constant 0 : i32
    %dma_wait3A_97 = tpu.memref_slice %arg4[%mul3A_2, %dma_wait3A_95, %dma_wait3A_96] : memref<25600x128x128xf32, #tpu.memory_space<hbm>> -> memref<1x128x128xf32, #tpu.memory_space<hbm>>
    %dma_wait3A_98 = tpu.memref_squeeze %dma_wait3A_97 : memref<1x128x128xf32, #tpu.memory_space<hbm>> -> memref<128x128xf32, #tpu.memory_space<hbm>>
    %dma_wait3A_99 = arith.constant 0 : i32
    %dma_wait3A_100 = arith.constant 0 : i32
    %dma_wait3A_101 = tpu.memref_slice %dma_wait3A_98[%dma_wait3A_99, %dma_wait3A_100] : memref<128x128xf32, #tpu.memory_space<hbm>> -> memref<128x128xf32, #tpu.memory_space<hbm>>
    %dma_wait3A_102 = arith.constant 0 : i32
    %dma_wait3A_103 = arith.constant 0 : i32
    %dma_wait3A_104 = tpu.memref_slice %arg8[%dma_wait3A_90, %dma_wait3A_102, %dma_wait3A_103] : memref<2x128x128xf32, #tpu.memory_space<vmem>> -> memref<1x128x128xf32, #tpu.memory_space<vmem>>
    %dma_wait3A_105 = tpu.memref_squeeze %dma_wait3A_104 : memref<1x128x128xf32, #tpu.memory_space<vmem>> -> memref<128x128xf32, #tpu.memory_space<vmem>>
    %dma_wait3A_106 = arith.constant 0 : i32
    %dma_wait3A_107 = arith.constant 0 : i32
    %dma_wait3A_108 = tpu.memref_slice %arg4[%mul3A_2, %dma_wait3A_106, %dma_wait3A_107] : memref<25600x128x128xf32, #tpu.memory_space<hbm>> -> memref<1x128x128xf32, #tpu.memory_space<hbm>>
    %dma_wait3A_109 = tpu.memref_squeeze %dma_wait3A_108 : memref<1x128x128xf32, #tpu.memory_space<hbm>> -> memref<128x128xf32, #tpu.memory_space<hbm>>
    %dma_wait3A_110 = arith.constant 0 : i32
    %dma_wait3A_111 = arith.constant 0 : i32
    %dma_wait3A_112 = tpu.memref_slice %dma_wait3A_109[%dma_wait3A_110, %dma_wait3A_111] : memref<128x128xf32, #tpu.memory_space<hbm>> -> memref<128x128xf32, #tpu.memory_space<hbm>>
    tpu.wait_dma2 semaphore(%arg12 : memref<!tpu.dma_semaphore, #tpu.memory_space<semaphore_mem>>) src(%dma_wait3A_112 : memref<128x128xf32, #tpu.memory_space<hbm>>) dst(%dma_wait3A_105 : memref<128x128xf32, #tpu.memory_space<vmem>>)
    %add3A_113 = arith.constant 0 : i32
    %add3A_114 = arith.addi %mul3A_2, %add3A_113 : i32
    %dma_start3A_115 = arith.constant 0 : i32
    %dma_start3A_116 = arith.constant 0 : i32
    %dma_start3A_117 = tpu.memref_slice %arg4[%add3A_114, %dma_start3A_115, %dma_start3A_116] : memref<25600x128x128xf32, #tpu.memory_space<hbm>> -> memref<2x128x128xf32, #tpu.memory_space<hbm>>
    %dma_start3A_118 = arith.constant 0 : i32
    %dma_start3A_119 = arith.constant 0 : i32
    %dma_start3A_120 = tpu.memref_slice %arg4[%add3A_114, %dma_start3A_118, %dma_start3A_119] : memref<25600x128x128xf32, #tpu.memory_space<hbm>> -> memref<2x128x128xf32, #tpu.memory_space<hbm>>
    tpu.enqueue_dma source(%arg8 : memref<2x128x128xf32, #tpu.memory_space<vmem>>) target(%dma_start3A_120 : memref<2x128x128xf32, #tpu.memory_space<hbm>>) target_semaphore(%arg15 : memref<!tpu.dma_semaphore, #tpu.memory_space<semaphore_mem>>)
    %dma_wait3A_121 = arith.constant 0 : i32
    %dma_wait3A_122 = tpu.memref_slice %arg2[%mul3A_2, %dma_wait3A_121] : memref<25600x128xi32, #tpu.memory_space<hbm>> -> memref<2x128xi32, #tpu.memory_space<hbm>>
    %dma_wait3A_123 = arith.constant 0 : i32
    %dma_wait3A_124 = tpu.memref_slice %arg2[%mul3A_2, %dma_wait3A_123] : memref<25600x128xi32, #tpu.memory_space<hbm>> -> memref<2x128xi32, #tpu.memory_space<hbm>>
    tpu.wait_dma2 semaphore(%arg20 : memref<!tpu.dma_semaphore, #tpu.memory_space<semaphore_mem>>) src(%dma_wait3A_124 : memref<2x128xi32, #tpu.memory_space<hbm>>) dst(%arg7 : memref<2x128xi32, #tpu.memory_space<vmem>>)
    %dma_start3A_125 = arith.constant 0 : i32
    %dma_start3A_126 = arith.constant 0 : i32
    %dma_start3A_127 = arith.constant 0 : i32
    %dma_start3A_128 = arith.constant 0 : i32
    %dma_start3A_129 = tpu.memref_slice %arg10[%dma_start3A_126, %dma_start3A_127, %dma_start3A_128] : memref<2x128x128xf32, #tpu.memory_space<vmem>> -> memref<1x128x128xf32, #tpu.memory_space<vmem>>
    %dma_start3A_130 = tpu.memref_squeeze %dma_start3A_129 : memref<1x128x128xf32, #tpu.memory_space<vmem>> -> memref<128x128xf32, #tpu.memory_space<vmem>>
    %dma_start3A_131 = arith.constant 0 : i32
    %dma_start3A_132 = tpu.memref_slice %arg7[%dma_start3A_125, %dma_start3A_131] : memref<2x128xi32, #tpu.memory_space<vmem>> -> memref<1x128xi32, #tpu.memory_space<vmem>>
    %dma_start3A_133 = tpu.memref_squeeze %dma_start3A_132 : memref<1x128xi32, #tpu.memory_space<vmem>> -> memref<128xi32, #tpu.memory_space<vmem>>
    %dma_start3A_134 = arith.constant 0 : i32
    %dma_start3A_135 = arith.constant 0 : i32
    %dma_start3A_136 = tpu.memref_slice %arg11[%dma_start3A_134, %dma_start3A_135] : memref<1024x128xf32, #tpu.memory_space<vmem_shared>> -> memref<1024x128xf32, #tpu.memory_space<vmem_shared>>
    tpu.enqueue_indirect_dma source(%dma_start3A_136 : memref<1024x128xf32, #tpu.memory_space<vmem_shared>>) target(%dma_start3A_130 : memref<128x128xf32, #tpu.memory_space<vmem>>) offsets(%dma_start3A_133 : memref<128xi32, #tpu.memory_space<vmem>>) semaphore(%arg14 : memref<!tpu.dma_semaphore, #tpu.memory_space<semaphore_mem>>)
    %dma_start3A_137 = arith.constant 1 : i32
    %dma_start3A_138 = arith.constant 1 : i32
    %dma_start3A_139 = arith.constant 0 : i32
    %dma_start3A_140 = arith.constant 0 : i32
    %dma_start3A_141 = tpu.memref_slice %arg10[%dma_start3A_138, %dma_start3A_139, %dma_start3A_140] : memref<2x128x128xf32, #tpu.memory_space<vmem>> -> memref<1x128x128xf32, #tpu.memory_space<vmem>>
    %dma_start3A_142 = tpu.memref_squeeze %dma_start3A_141 : memref<1x128x128xf32, #tpu.memory_space<vmem>> -> memref<128x128xf32, #tpu.memory_space<vmem>>
    %dma_start3A_143 = arith.constant 0 : i32
    %dma_start3A_144 = tpu.memref_slice %arg7[%dma_start3A_137, %dma_start3A_143] : memref<2x128xi32, #tpu.memory_space<vmem>> -> memref<1x128xi32, #tpu.memory_space<vmem>>
    %dma_start3A_145 = tpu.memref_squeeze %dma_start3A_144 : memref<1x128xi32, #tpu.memory_space<vmem>> -> memref<128xi32, #tpu.memory_space<vmem>>
    %dma_start3A_146 = arith.constant 0 : i32
    %dma_start3A_147 = arith.constant 0 : i32
    %dma_start3A_148 = tpu.memref_slice %arg11[%dma_start3A_146, %dma_start3A_147] : memref<1024x128xf32, #tpu.memory_space<vmem_shared>> -> memref<1024x128xf32, #tpu.memory_space<vmem_shared>>
    tpu.enqueue_indirect_dma source(%dma_start3A_148 : memref<1024x128xf32, #tpu.memory_space<vmem_shared>>) target(%dma_start3A_142 : memref<128x128xf32, #tpu.memory_space<vmem>>) offsets(%dma_start3A_145 : memref<128xi32, #tpu.memory_space<vmem>>) semaphore(%arg14 : memref<!tpu.dma_semaphore, #tpu.memory_space<semaphore_mem>>)
    %add3A_149 = arith.constant 6 : i32
    %add3A_150 = arith.addi %mul3A_2, %add3A_149 : i32
    %dma_start3A_151 = arith.constant 0 : i32
    %dma_start3A_152 = tpu.memref_slice %arg2[%add3A_150, %dma_start3A_151] : memref<25600x128xi32, #tpu.memory_space<hbm>> -> memref<2x128xi32, #tpu.memory_space<hbm>>
    %dma_start3A_153 = arith.constant 0 : i32
    %dma_start3A_154 = tpu.memref_slice %arg2[%add3A_150, %dma_start3A_153] : memref<25600x128xi32, #tpu.memory_space<hbm>> -> memref<2x128xi32, #tpu.memory_space<hbm>>
    tpu.enqueue_dma source(%dma_start3A_154 : memref<2x128xi32, #tpu.memory_space<hbm>>) target(%arg5 : memref<2x128xi32, #tpu.memory_space<vmem>>) target_semaphore(%arg18 : memref<!tpu.dma_semaphore, #tpu.memory_space<semaphore_mem>>)
    %dma_wait3A_155 = arith.constant 0 : i32
    %dma_wait3A_156 = arith.constant 0 : i32
    %dma_wait3A_157 = arith.constant 0 : i32
    %dma_wait3A_158 = tpu.memref_slice %arg9[%dma_wait3A_155, %dma_wait3A_156, %dma_wait3A_157] : memref<2x128x128xf32, #tpu.memory_space<vmem>> -> memref<1x128x128xf32, #tpu.memory_space<vmem>>
    %dma_wait3A_159 = tpu.memref_squeeze %dma_wait3A_158 : memref<1x128x128xf32, #tpu.memory_space<vmem>> -> memref<128x128xf32, #tpu.memory_space<vmem>>
    %dma_wait3A_160 = arith.constant 0 : i32
    %dma_wait3A_161 = arith.constant 0 : i32
    %dma_wait3A_162 = tpu.memref_slice %arg4[%mul3A_2, %dma_wait3A_160, %dma_wait3A_161] : memref<25600x128x128xf32, #tpu.memory_space<hbm>> -> memref<1x128x128xf32, #tpu.memory_space<hbm>>
    %dma_wait3A_163 = tpu.memref_squeeze %dma_wait3A_162 : memref<1x128x128xf32, #tpu.memory_space<hbm>> -> memref<128x128xf32, #tpu.memory_space<hbm>>
    %dma_wait3A_164 = arith.constant 0 : i32
    %dma_wait3A_165 = arith.constant 0 : i32
    %dma_wait3A_166 = tpu.memref_slice %dma_wait3A_163[%dma_wait3A_164, %dma_wait3A_165] : memref<128x128xf32, #tpu.memory_space<hbm>> -> memref<128x128xf32, #tpu.memory_space<hbm>>
    %dma_wait3A_167 = arith.constant 0 : i32
    %dma_wait3A_168 = arith.constant 0 : i32
    %dma_wait3A_169 = tpu.memref_slice %arg9[%dma_wait3A_155, %dma_wait3A_167, %dma_wait3A_168] : memref<2x128x128xf32, #tpu.memory_space<vmem>> -> memref<1x128x128xf32, #tpu.memory_space<vmem>>
    %dma_wait3A_170 = tpu.memref_squeeze %dma_wait3A_169 : memref<1x128x128xf32, #tpu.memory_space<vmem>> -> memref<128x128xf32, #tpu.memory_space<vmem>>
    %dma_wait3A_171 = arith.constant 0 : i32
    %dma_wait3A_172 = arith.constant 0 : i32
    %dma_wait3A_173 = tpu.memref_slice %arg4[%mul3A_2, %dma_wait3A_171, %dma_wait3A_172] : memref<25600x128x128xf32, #tpu.memory_space<hbm>> -> memref<1x128x128xf32, #tpu.memory_space<hbm>>
    %dma_wait3A_174 = tpu.memref_squeeze %dma_wait3A_173 : memref<1x128x128xf32, #tpu.memory_space<hbm>> -> memref<128x128xf32, #tpu.memory_space<hbm>>
    %dma_wait3A_175 = arith.constant 0 : i32
    %dma_wait3A_176 = arith.constant 0 : i32
    %dma_wait3A_177 = tpu.memref_slice %dma_wait3A_174[%dma_wait3A_175, %dma_wait3A_176] : memref<128x128xf32, #tpu.memory_space<hbm>> -> memref<128x128xf32, #tpu.memory_space<hbm>>
    tpu.wait_dma2 semaphore(%arg13 : memref<!tpu.dma_semaphore, #tpu.memory_space<semaphore_mem>>) src(%dma_wait3A_177 : memref<128x128xf32, #tpu.memory_space<hbm>>) dst(%dma_wait3A_170 : memref<128x128xf32, #tpu.memory_space<vmem>>)
    %dma_wait3A_178 = arith.constant 1 : i32
    %dma_wait3A_179 = arith.constant 0 : i32
    %dma_wait3A_180 = arith.constant 0 : i32
    %dma_wait3A_181 = tpu.memref_slice %arg9[%dma_wait3A_178, %dma_wait3A_179, %dma_wait3A_180] : memref<2x128x128xf32, #tpu.memory_space<vmem>> -> memref<1x128x128xf32, #tpu.memory_space<vmem>>
    %dma_wait3A_182 = tpu.memref_squeeze %dma_wait3A_181 : memref<1x128x128xf32, #tpu.memory_space<vmem>> -> memref<128x128xf32, #tpu.memory_space<vmem>>
    %dma_wait3A_183 = arith.constant 0 : i32
    %dma_wait3A_184 = arith.constant 0 : i32
    %dma_wait3A_185 = tpu.memref_slice %arg4[%mul3A_2, %dma_wait3A_183, %dma_wait3A_184] : memref<25600x128x128xf32, #tpu.memory_space<hbm>> -> memref<1x128x128xf32, #tpu.memory_space<hbm>>
    %dma_wait3A_186 = tpu.memref_squeeze %dma_wait3A_185 : memref<1x128x128xf32, #tpu.memory_space<hbm>> -> memref<128x128xf32, #tpu.memory_space<hbm>>
    %dma_wait3A_187 = arith.constant 0 : i32
    %dma_wait3A_188 = arith.constant 0 : i32
    %dma_wait3A_189 = tpu.memref_slice %dma_wait3A_186[%dma_wait3A_187, %dma_wait3A_188] : memref<128x128xf32, #tpu.memory_space<hbm>> -> memref<128x128xf32, #tpu.memory_space<hbm>>
    %dma_wait3A_190 = arith.constant 0 : i32
    %dma_wait3A_191 = arith.constant 0 : i32
    %dma_wait3A_192 = tpu.memref_slice %arg9[%dma_wait3A_178, %dma_wait3A_190, %dma_wait3A_191] : memref<2x128x128xf32, #tpu.memory_space<vmem>> -> memref<1x128x128xf32, #tpu.memory_space<vmem>>
    %dma_wait3A_193 = tpu.memref_squeeze %dma_wait3A_192 : memref<1x128x128xf32, #tpu.memory_space<vmem>> -> memref<128x128xf32, #tpu.memory_space<vmem>>
    %dma_wait3A_194 = arith.constant 0 : i32
    %dma_wait3A_195 = arith.constant 0 : i32
    %dma_wait3A_196 = tpu.memref_slice %arg4[%mul3A_2, %dma_wait3A_194, %dma_wait3A_195] : memref<25600x128x128xf32, #tpu.memory_space<hbm>> -> memref<1x128x128xf32, #tpu.memory_space<hbm>>
    %dma_wait3A_197 = tpu.memref_squeeze %dma_wait3A_196 : memref<1x128x128xf32, #tpu.memory_space<hbm>> -> memref<128x128xf32, #tpu.memory_space<hbm>>
    %dma_wait3A_198 = arith.constant 0 : i32
    %dma_wait3A_199 = arith.constant 0 : i32
    %dma_wait3A_200 = tpu.memref_slice %dma_wait3A_197[%dma_wait3A_198, %dma_wait3A_199] : memref<128x128xf32, #tpu.memory_space<hbm>> -> memref<128x128xf32, #tpu.memory_space<hbm>>
    tpu.wait_dma2 semaphore(%arg13 : memref<!tpu.dma_semaphore, #tpu.memory_space<semaphore_mem>>) src(%dma_wait3A_200 : memref<128x128xf32, #tpu.memory_space<hbm>>) dst(%dma_wait3A_193 : memref<128x128xf32, #tpu.memory_space<vmem>>)
    %add3A_201 = arith.constant 2 : i32
    %add3A_202 = arith.addi %mul3A_2, %add3A_201 : i32
    %dma_start3A_203 = arith.constant 0 : i32
    %dma_start3A_204 = arith.constant 0 : i32
    %dma_start3A_205 = tpu.memref_slice %arg4[%add3A_202, %dma_start3A_203, %dma_start3A_204] : memref<25600x128x128xf32, #tpu.memory_space<hbm>> -> memref<2x128x128xf32, #tpu.memory_space<hbm>>
    %dma_start3A_206 = arith.constant 0 : i32
    %dma_start3A_207 = arith.constant 0 : i32
    %dma_start3A_208 = tpu.memref_slice %arg4[%add3A_202, %dma_start3A_206, %dma_start3A_207] : memref<25600x128x128xf32, #tpu.memory_space<hbm>> -> memref<2x128x128xf32, #tpu.memory_space<hbm>>
    tpu.enqueue_dma source(%arg9 : memref<2x128x128xf32, #tpu.memory_space<vmem>>) target(%dma_start3A_208 : memref<2x128x128xf32, #tpu.memory_space<hbm>>) target_semaphore(%arg16 : memref<!tpu.dma_semaphore, #tpu.memory_space<semaphore_mem>>)
    %scan3A = arith.constant 0 : i32
    %scan3A_209 = arith.constant 0 : i32
    %scan3A_210 = arith.constant 132 : i32
    %scan3A_211 = arith.addi %scan3A_209, %scan3A_210 : i32
    %scan3A_212 = arith.constant 1 : i32
    scf.for %scan3A_374 = %scan3A_209 to %scan3A_211 step %scan3A_212  : i32 {
      %mul3A_375 = arith.constant 3 : i32
      %mul3A_376 = arith.muli %mul3A_375, %scan3A_374 : i32
      %add3A_377 = arith.constant 2 : i32
      %add3A_378 = arith.addi %add3A_377, %mul3A_376 : i32
      %add3A_379 = arith.constant 0 : i32
      %add3A_380 = arith.addi %add3A_378, %add3A_379 : i32
      %dma_wait3A_381 = arith.constant 0 : i32
      %dma_wait3A_382 = arith.constant 0 : i32
      %dma_wait3A_383 = tpu.memref_slice %arg4[%mul3A_2, %dma_wait3A_381, %dma_wait3A_382] : memref<25600x128x128xf32, #tpu.memory_space<hbm>> -> memref<2x128x128xf32, #tpu.memory_space<hbm>>
      %dma_wait3A_384 = arith.constant 0 : i32
      %dma_wait3A_385 = arith.constant 0 : i32
      %dma_wait3A_386 = tpu.memref_slice %arg4[%mul3A_2, %dma_wait3A_384, %dma_wait3A_385] : memref<25600x128x128xf32, #tpu.memory_space<hbm>> -> memref<2x128x128xf32, #tpu.memory_space<hbm>>
      tpu.wait_dma2 semaphore(%arg15 : memref<!tpu.dma_semaphore, #tpu.memory_space<semaphore_mem>>) src(%arg8 : memref<2x128x128xf32, #tpu.memory_space<vmem>>) dst(%dma_wait3A_386 : memref<2x128x128xf32, #tpu.memory_space<hbm>>)
      %dma_wait3A_387 = arith.constant 0 : i32
      %dma_wait3A_388 = tpu.memref_slice %arg2[%mul3A_2, %dma_wait3A_387] : memref<25600x128xi32, #tpu.memory_space<hbm>> -> memref<2x128xi32, #tpu.memory_space<hbm>>
      %dma_wait3A_389 = arith.constant 0 : i32
      %dma_wait3A_390 = tpu.memref_slice %arg2[%mul3A_2, %dma_wait3A_389] : memref<25600x128xi32, #tpu.memory_space<hbm>> -> memref<2x128xi32, #tpu.memory_space<hbm>>
      tpu.wait_dma2 semaphore(%arg18 : memref<!tpu.dma_semaphore, #tpu.memory_space<semaphore_mem>>) src(%dma_wait3A_390 : memref<2x128xi32, #tpu.memory_space<hbm>>) dst(%arg5 : memref<2x128xi32, #tpu.memory_space<vmem>>)
      %add3A_391 = arith.constant 1 : i32
      %add3A_392 = arith.addi %add3A_380, %add3A_391 : i32
      %dma_start3A_393 = arith.constant 0 : i32
      %dma_start3A_394 = arith.constant 0 : i32
      %dma_start3A_395 = arith.constant 0 : i32
      %dma_start3A_396 = arith.constant 0 : i32
      %dma_start3A_397 = tpu.memref_slice %arg8[%dma_start3A_394, %dma_start3A_395, %dma_start3A_396] : memref<2x128x128xf32, #tpu.memory_space<vmem>> -> memref<1x128x128xf32, #tpu.memory_space<vmem>>
      %dma_start3A_398 = tpu.memref_squeeze %dma_start3A_397 : memref<1x128x128xf32, #tpu.memory_space<vmem>> -> memref<128x128xf32, #tpu.memory_space<vmem>>
      %dma_start3A_399 = arith.constant 0 : i32
      %dma_start3A_400 = tpu.memref_slice %arg5[%dma_start3A_393, %dma_start3A_399] : memref<2x128xi32, #tpu.memory_space<vmem>> -> memref<1x128xi32, #tpu.memory_space<vmem>>
      %dma_start3A_401 = tpu.memref_squeeze %dma_start3A_400 : memref<1x128xi32, #tpu.memory_space<vmem>> -> memref<128xi32, #tpu.memory_space<vmem>>
      %dma_start3A_402 = arith.constant 0 : i32
      %dma_start3A_403 = arith.constant 0 : i32
      %dma_start3A_404 = tpu.memref_slice %arg11[%dma_start3A_402, %dma_start3A_403] : memref<1024x128xf32, #tpu.memory_space<vmem_shared>> -> memref<1024x128xf32, #tpu.memory_space<vmem_shared>>
      tpu.enqueue_indirect_dma source(%dma_start3A_404 : memref<1024x128xf32, #tpu.memory_space<vmem_shared>>) target(%dma_start3A_398 : memref<128x128xf32, #tpu.memory_space<vmem>>) offsets(%dma_start3A_401 : memref<128xi32, #tpu.memory_space<vmem>>) semaphore(%arg12 : memref<!tpu.dma_semaphore, #tpu.memory_space<semaphore_mem>>)
      %dma_start3A_405 = arith.constant 1 : i32
      %dma_start3A_406 = arith.constant 1 : i32
      %dma_start3A_407 = arith.constant 0 : i32
      %dma_start3A_408 = arith.constant 0 : i32
      %dma_start3A_409 = tpu.memref_slice %arg8[%dma_start3A_406, %dma_start3A_407, %dma_start3A_408] : memref<2x128x128xf32, #tpu.memory_space<vmem>> -> memref<1x128x128xf32, #tpu.memory_space<vmem>>
      %dma_start3A_410 = tpu.memref_squeeze %dma_start3A_409 : memref<1x128x128xf32, #tpu.memory_space<vmem>> -> memref<128x128xf32, #tpu.memory_space<vmem>>
      %dma_start3A_411 = arith.constant 0 : i32
      %dma_start3A_412 = tpu.memref_slice %arg5[%dma_start3A_405, %dma_start3A_411] : memref<2x128xi32, #tpu.memory_space<vmem>> -> memref<1x128xi32, #tpu.memory_space<vmem>>
      %dma_start3A_413 = tpu.memref_squeeze %dma_start3A_412 : memref<1x128xi32, #tpu.memory_space<vmem>> -> memref<128xi32, #tpu.memory_space<vmem>>
      %dma_start3A_414 = arith.constant 0 : i32
      %dma_start3A_415 = arith.constant 0 : i32
      %dma_start3A_416 = tpu.memref_slice %arg11[%dma_start3A_414, %dma_start3A_415] : memref<1024x128xf32, #tpu.memory_space<vmem_shared>> -> memref<1024x128xf32, #tpu.memory_space<vmem_shared>>
      tpu.enqueue_indirect_dma source(%dma_start3A_416 : memref<1024x128xf32, #tpu.memory_space<vmem_shared>>) target(%dma_start3A_410 : memref<128x128xf32, #tpu.memory_space<vmem>>) offsets(%dma_start3A_413 : memref<128xi32, #tpu.memory_space<vmem>>) semaphore(%arg12 : memref<!tpu.dma_semaphore, #tpu.memory_space<semaphore_mem>>)
      %add3A_417 = arith.constant 2 : i32
      %add3A_418 = arith.addi %add3A_380, %add3A_417 : i32
      %mul3A_419 = arith.constant 2 : i32
      %mul3A_420 = arith.muli %add3A_418, %mul3A_419 : i32
      %add3A_421 = arith.addi %mul3A_2, %mul3A_420 : i32
      %dma_start3A_422 = arith.constant 0 : i32
      %dma_start3A_423 = tpu.memref_slice %arg2[%add3A_421, %dma_start3A_422] : memref<25600x128xi32, #tpu.memory_space<hbm>> -> memref<2x128xi32, #tpu.memory_space<hbm>>
      %dma_start3A_424 = arith.constant 0 : i32
      %dma_start3A_425 = tpu.memref_slice %arg2[%add3A_421, %dma_start3A_424] : memref<25600x128xi32, #tpu.memory_space<hbm>> -> memref<2x128xi32, #tpu.memory_space<hbm>>
      tpu.enqueue_dma source(%dma_start3A_425 : memref<2x128xi32, #tpu.memory_space<hbm>>) target(%arg6 : memref<2x128xi32, #tpu.memory_space<vmem>>) target_semaphore(%arg19 : memref<!tpu.dma_semaphore, #tpu.memory_space<semaphore_mem>>)
      %dma_wait3A_426 = arith.constant 0 : i32
      %dma_wait3A_427 = arith.constant 0 : i32
      %dma_wait3A_428 = arith.constant 0 : i32
      %dma_wait3A_429 = tpu.memref_slice %arg10[%dma_wait3A_426, %dma_wait3A_427, %dma_wait3A_428] : memref<2x128x128xf32, #tpu.memory_space<vmem>> -> memref<1x128x128xf32, #tpu.memory_space<vmem>>
      %dma_wait3A_430 = tpu.memref_squeeze %dma_wait3A_429 : memref<1x128x128xf32, #tpu.memory_space<vmem>> -> memref<128x128xf32, #tpu.memory_space<vmem>>
      %dma_wait3A_431 = arith.constant 0 : i32
      %dma_wait3A_432 = arith.constant 0 : i32
      %dma_wait3A_433 = tpu.memref_slice %arg4[%mul3A_2, %dma_wait3A_431, %dma_wait3A_432] : memref<25600x128x128xf32, #tpu.memory_space<hbm>> -> memref<1x128x128xf32, #tpu.memory_space<hbm>>
      %dma_wait3A_434 = tpu.memref_squeeze %dma_wait3A_433 : memref<1x128x128xf32, #tpu.memory_space<hbm>> -> memref<128x128xf32, #tpu.memory_space<hbm>>
      %dma_wait3A_435 = arith.constant 0 : i32
      %dma_wait3A_436 = arith.constant 0 : i32
      %dma_wait3A_437 = tpu.memref_slice %dma_wait3A_434[%dma_wait3A_435, %dma_wait3A_436] : memref<128x128xf32, #tpu.memory_space<hbm>> -> memref<128x128xf32, #tpu.memory_space<hbm>>
      %dma_wait3A_438 = arith.constant 0 : i32
      %dma_wait3A_439 = arith.constant 0 : i32
      %dma_wait3A_440 = tpu.memref_slice %arg10[%dma_wait3A_426, %dma_wait3A_438, %dma_wait3A_439] : memref<2x128x128xf32, #tpu.memory_space<vmem>> -> memref<1x128x128xf32, #tpu.memory_space<vmem>>
      %dma_wait3A_441 = tpu.memref_squeeze %dma_wait3A_440 : memref<1x128x128xf32, #tpu.memory_space<vmem>> -> memref<128x128xf32, #tpu.memory_space<vmem>>
      %dma_wait3A_442 = arith.constant 0 : i32
      %dma_wait3A_443 = arith.constant 0 : i32
      %dma_wait3A_444 = tpu.memref_slice %arg4[%mul3A_2, %dma_wait3A_442, %dma_wait3A_443] : memref<25600x128x128xf32, #tpu.memory_space<hbm>> -> memref<1x128x128xf32, #tpu.memory_space<hbm>>
      %dma_wait3A_445 = tpu.memref_squeeze %dma_wait3A_444 : memref<1x128x128xf32, #tpu.memory_space<hbm>> -> memref<128x128xf32, #tpu.memory_space<hbm>>
      %dma_wait3A_446 = arith.constant 0 : i32
      %dma_wait3A_447 = arith.constant 0 : i32
      %dma_wait3A_448 = tpu.memref_slice %dma_wait3A_445[%dma_wait3A_446, %dma_wait3A_447] : memref<128x128xf32, #tpu.memory_space<hbm>> -> memref<128x128xf32, #tpu.memory_space<hbm>>
      tpu.wait_dma2 semaphore(%arg14 : memref<!tpu.dma_semaphore, #tpu.memory_space<semaphore_mem>>) src(%dma_wait3A_448 : memref<128x128xf32, #tpu.memory_space<hbm>>) dst(%dma_wait3A_441 : memref<128x128xf32, #tpu.memory_space<vmem>>)
      %dma_wait3A_449 = arith.constant 1 : i32
      %dma_wait3A_450 = arith.constant 0 : i32
      %dma_wait3A_451 = arith.constant 0 : i32
      %dma_wait3A_452 = tpu.memref_slice %arg10[%dma_wait3A_449, %dma_wait3A_450, %dma_wait3A_451] : memref<2x128x128xf32, #tpu.memory_space<vmem>> -> memref<1x128x128xf32, #tpu.memory_space<vmem>>
      %dma_wait3A_453 = tpu.memref_squeeze %dma_wait3A_452 : memref<1x128x128xf32, #tpu.memory_space<vmem>> -> memref<128x128xf32, #tpu.memory_space<vmem>>
      %dma_wait3A_454 = arith.constant 0 : i32
      %dma_wait3A_455 = arith.constant 0 : i32
      %dma_wait3A_456 = tpu.memref_slice %arg4[%mul3A_2, %dma_wait3A_454, %dma_wait3A_455] : memref<25600x128x128xf32, #tpu.memory_space<hbm>> -> memref<1x128x128xf32, #tpu.memory_space<hbm>>
      %dma_wait3A_457 = tpu.memref_squeeze %dma_wait3A_456 : memref<1x128x128xf32, #tpu.memory_space<hbm>> -> memref<128x128xf32, #tpu.memory_space<hbm>>
      %dma_wait3A_458 = arith.constant 0 : i32
      %dma_wait3A_459 = arith.constant 0 : i32
      %dma_wait3A_460 = tpu.memref_slice %dma_wait3A_457[%dma_wait3A_458, %dma_wait3A_459] : memref<128x128xf32, #tpu.memory_space<hbm>> -> memref<128x128xf32, #tpu.memory_space<hbm>>
      %dma_wait3A_461 = arith.constant 0 : i32
      %dma_wait3A_462 = arith.constant 0 : i32
      %dma_wait3A_463 = tpu.memref_slice %arg10[%dma_wait3A_449, %dma_wait3A_461, %dma_wait3A_462] : memref<2x128x128xf32, #tpu.memory_space<vmem>> -> memref<1x128x128xf32, #tpu.memory_space<vmem>>
      %dma_wait3A_464 = tpu.memref_squeeze %dma_wait3A_463 : memref<1x128x128xf32, #tpu.memory_space<vmem>> -> memref<128x128xf32, #tpu.memory_space<vmem>>
      %dma_wait3A_465 = arith.constant 0 : i32
      %dma_wait3A_466 = arith.constant 0 : i32
      %dma_wait3A_467 = tpu.memref_slice %arg4[%mul3A_2, %dma_wait3A_465, %dma_wait3A_466] : memref<25600x128x128xf32, #tpu.memory_space<hbm>> -> memref<1x128x128xf32, #tpu.memory_space<hbm>>
      %dma_wait3A_468 = tpu.memref_squeeze %dma_wait3A_467 : memref<1x128x128xf32, #tpu.memory_space<hbm>> -> memref<128x128xf32, #tpu.memory_space<hbm>>
      %dma_wait3A_469 = arith.constant 0 : i32
      %dma_wait3A_470 = arith.constant 0 : i32
      %dma_wait3A_471 = tpu.memref_slice %dma_wait3A_468[%dma_wait3A_469, %dma_wait3A_470] : memref<128x128xf32, #tpu.memory_space<hbm>> -> memref<128x128xf32, #tpu.memory_space<hbm>>
      tpu.wait_dma2 semaphore(%arg14 : memref<!tpu.dma_semaphore, #tpu.memory_space<semaphore_mem>>) src(%dma_wait3A_471 : memref<128x128xf32, #tpu.memory_space<hbm>>) dst(%dma_wait3A_464 : memref<128x128xf32, #tpu.memory_space<vmem>>)
      %mul3A_472 = arith.constant 2 : i32
      %mul3A_473 = arith.muli %add3A_380, %mul3A_472 : i32
      %add3A_474 = arith.addi %mul3A_2, %mul3A_473 : i32
      %dma_start3A_475 = arith.constant 0 : i32
      %dma_start3A_476 = arith.constant 0 : i32
      %dma_start3A_477 = tpu.memref_slice %arg4[%add3A_474, %dma_start3A_475, %dma_start3A_476] : memref<25600x128x128xf32, #tpu.memory_space<hbm>> -> memref<2x128x128xf32, #tpu.memory_space<hbm>>
      %dma_start3A_478 = arith.constant 0 : i32
      %dma_start3A_479 = arith.constant 0 : i32
      %dma_start3A_480 = tpu.memref_slice %arg4[%add3A_474, %dma_start3A_478, %dma_start3A_479] : memref<25600x128x128xf32, #tpu.memory_space<hbm>> -> memref<2x128x128xf32, #tpu.memory_space<hbm>>
      tpu.enqueue_dma source(%arg10 : memref<2x128x128xf32, #tpu.memory_space<vmem>>) target(%dma_start3A_480 : memref<2x128x128xf32, #tpu.memory_space<hbm>>) target_semaphore(%arg17 : memref<!tpu.dma_semaphore, #tpu.memory_space<semaphore_mem>>)
      %add3A_481 = arith.constant 1 : i32
      %add3A_482 = arith.addi %add3A_378, %add3A_481 : i32
      %dma_wait3A_483 = arith.constant 0 : i32
      %dma_wait3A_484 = arith.constant 0 : i32
      %dma_wait3A_485 = tpu.memref_slice %arg4[%mul3A_2, %dma_wait3A_483, %dma_wait3A_484] : memref<25600x128x128xf32, #tpu.memory_space<hbm>> -> memref<2x128x128xf32, #tpu.memory_space<hbm>>
      %dma_wait3A_486 = arith.constant 0 : i32
      %dma_wait3A_487 = arith.constant 0 : i32
      %dma_wait3A_488 = tpu.memref_slice %arg4[%mul3A_2, %dma_wait3A_486, %dma_wait3A_487] : memref<25600x128x128xf32, #tpu.memory_space<hbm>> -> memref<2x128x128xf32, #tpu.memory_space<hbm>>
      tpu.wait_dma2 semaphore(%arg16 : memref<!tpu.dma_semaphore, #tpu.memory_space<semaphore_mem>>) src(%arg9 : memref<2x128x128xf32, #tpu.memory_space<vmem>>) dst(%dma_wait3A_488 : memref<2x128x128xf32, #tpu.memory_space<hbm>>)
      %dma_wait3A_489 = arith.constant 0 : i32
      %dma_wait3A_490 = tpu.memref_slice %arg2[%mul3A_2, %dma_wait3A_489] : memref<25600x128xi32, #tpu.memory_space<hbm>> -> memref<2x128xi32, #tpu.memory_space<hbm>>
      %dma_wait3A_491 = arith.constant 0 : i32
      %dma_wait3A_492 = tpu.memref_slice %arg2[%mul3A_2, %dma_wait3A_491] : memref<25600x128xi32, #tpu.memory_space<hbm>> -> memref<2x128xi32, #tpu.memory_space<hbm>>
      tpu.wait_dma2 semaphore(%arg19 : memref<!tpu.dma_semaphore, #tpu.memory_space<semaphore_mem>>) src(%dma_wait3A_492 : memref<2x128xi32, #tpu.memory_space<hbm>>) dst(%arg6 : memref<2x128xi32, #tpu.memory_space<vmem>>)
      %add3A_493 = arith.constant 1 : i32
      %add3A_494 = arith.addi %add3A_482, %add3A_493 : i32
      %dma_start3A_495 = arith.constant 0 : i32
      %dma_start3A_496 = arith.constant 0 : i32
      %dma_start3A_497 = arith.constant 0 : i32
      %dma_start3A_498 = arith.constant 0 : i32
      %dma_start3A_499 = tpu.memref_slice %arg9[%dma_start3A_496, %dma_start3A_497, %dma_start3A_498] : memref<2x128x128xf32, #tpu.memory_space<vmem>> -> memref<1x128x128xf32, #tpu.memory_space<vmem>>
      %dma_start3A_500 = tpu.memref_squeeze %dma_start3A_499 : memref<1x128x128xf32, #tpu.memory_space<vmem>> -> memref<128x128xf32, #tpu.memory_space<vmem>>
      %dma_start3A_501 = arith.constant 0 : i32
      %dma_start3A_502 = tpu.memref_slice %arg6[%dma_start3A_495, %dma_start3A_501] : memref<2x128xi32, #tpu.memory_space<vmem>> -> memref<1x128xi32, #tpu.memory_space<vmem>>
      %dma_start3A_503 = tpu.memref_squeeze %dma_start3A_502 : memref<1x128xi32, #tpu.memory_space<vmem>> -> memref<128xi32, #tpu.memory_space<vmem>>
      %dma_start3A_504 = arith.constant 0 : i32
      %dma_start3A_505 = arith.constant 0 : i32
      %dma_start3A_506 = tpu.memref_slice %arg11[%dma_start3A_504, %dma_start3A_505] : memref<1024x128xf32, #tpu.memory_space<vmem_shared>> -> memref<1024x128xf32, #tpu.memory_space<vmem_shared>>
      tpu.enqueue_indirect_dma source(%dma_start3A_506 : memref<1024x128xf32, #tpu.memory_space<vmem_shared>>) target(%dma_start3A_500 : memref<128x128xf32, #tpu.memory_space<vmem>>) offsets(%dma_start3A_503 : memref<128xi32, #tpu.memory_space<vmem>>) semaphore(%arg13 : memref<!tpu.dma_semaphore, #tpu.memory_space<semaphore_mem>>)
      %dma_start3A_507 = arith.constant 1 : i32
      %dma_start3A_508 = arith.constant 1 : i32
      %dma_start3A_509 = arith.constant 0 : i32
      %dma_start3A_510 = arith.constant 0 : i32
      %dma_start3A_511 = tpu.memref_slice %arg9[%dma_start3A_508, %dma_start3A_509, %dma_start3A_510] : memref<2x128x128xf32, #tpu.memory_space<vmem>> -> memref<1x128x128xf32, #tpu.memory_space<vmem>>
      %dma_start3A_512 = tpu.memref_squeeze %dma_start3A_511 : memref<1x128x128xf32, #tpu.memory_space<vmem>> -> memref<128x128xf32, #tpu.memory_space<vmem>>
      %dma_start3A_513 = arith.constant 0 : i32
      %dma_start3A_514 = tpu.memref_slice %arg6[%dma_start3A_507, %dma_start3A_513] : memref<2x128xi32, #tpu.memory_space<vmem>> -> memref<1x128xi32, #tpu.memory_space<vmem>>
      %dma_start3A_515 = tpu.memref_squeeze %dma_start3A_514 : memref<1x128xi32, #tpu.memory_space<vmem>> -> memref<128xi32, #tpu.memory_space<vmem>>
      %dma_start3A_516 = arith.constant 0 : i32
      %dma_start3A_517 = arith.constant 0 : i32
      %dma_start3A_518 = tpu.memref_slice %arg11[%dma_start3A_516, %dma_start3A_517] : memref<1024x128xf32, #tpu.memory_space<vmem_shared>> -> memref<1024x128xf32, #tpu.memory_space<vmem_shared>>
      tpu.enqueue_indirect_dma source(%dma_start3A_518 : memref<1024x128xf32, #tpu.memory_space<vmem_shared>>) target(%dma_start3A_512 : memref<128x128xf32, #tpu.memory_space<vmem>>) offsets(%dma_start3A_515 : memref<128xi32, #tpu.memory_space<vmem>>) semaphore(%arg13 : memref<!tpu.dma_semaphore, #tpu.memory_space<semaphore_mem>>)
      %add3A_519 = arith.constant 2 : i32
      %add3A_520 = arith.addi %add3A_482, %add3A_519 : i32
      %mul3A_521 = arith.constant 2 : i32
      %mul3A_522 = arith.muli %add3A_520, %mul3A_521 : i32
      %add3A_523 = arith.addi %mul3A_2, %mul3A_522 : i32
      %dma_start3A_524 = arith.constant 0 : i32
      %dma_start3A_525 = tpu.memref_slice %arg2[%add3A_523, %dma_start3A_524] : memref<25600x128xi32, #tpu.memory_space<hbm>> -> memref<2x128xi32, #tpu.memory_space<hbm>>
      %dma_start3A_526 = arith.constant 0 : i32
      %dma_start3A_527 = tpu.memref_slice %arg2[%add3A_523, %dma_start3A_526] : memref<25600x128xi32, #tpu.memory_space<hbm>> -> memref<2x128xi32, #tpu.memory_space<hbm>>
      tpu.enqueue_dma source(%dma_start3A_527 : memref<2x128xi32, #tpu.memory_space<hbm>>) target(%arg7 : memref<2x128xi32, #tpu.memory_space<vmem>>) target_semaphore(%arg20 : memref<!tpu.dma_semaphore, #tpu.memory_space<semaphore_mem>>)
      %dma_wait3A_528 = arith.constant 0 : i32
      %dma_wait3A_529 = arith.constant 0 : i32
      %dma_wait3A_530 = arith.constant 0 : i32
      %dma_wait3A_531 = tpu.memref_slice %arg8[%dma_wait3A_528, %dma_wait3A_529, %dma_wait3A_530] : memref<2x128x128xf32, #tpu.memory_space<vmem>> -> memref<1x128x128xf32, #tpu.memory_space<vmem>>
      %dma_wait3A_532 = tpu.memref_squeeze %dma_wait3A_531 : memref<1x128x128xf32, #tpu.memory_space<vmem>> -> memref<128x128xf32, #tpu.memory_space<vmem>>
      %dma_wait3A_533 = arith.constant 0 : i32
      %dma_wait3A_534 = arith.constant 0 : i32
      %dma_wait3A_535 = tpu.memref_slice %arg4[%mul3A_2, %dma_wait3A_533, %dma_wait3A_534] : memref<25600x128x128xf32, #tpu.memory_space<hbm>> -> memref<1x128x128xf32, #tpu.memory_space<hbm>>
      %dma_wait3A_536 = tpu.memref_squeeze %dma_wait3A_535 : memref<1x128x128xf32, #tpu.memory_space<hbm>> -> memref<128x128xf32, #tpu.memory_space<hbm>>
      %dma_wait3A_537 = arith.constant 0 : i32
      %dma_wait3A_538 = arith.constant 0 : i32
      %dma_wait3A_539 = tpu.memref_slice %dma_wait3A_536[%dma_wait3A_537, %dma_wait3A_538] : memref<128x128xf32, #tpu.memory_space<hbm>> -> memref<128x128xf32, #tpu.memory_space<hbm>>
      %dma_wait3A_540 = arith.constant 0 : i32
      %dma_wait3A_541 = arith.constant 0 : i32
      %dma_wait3A_542 = tpu.memref_slice %arg8[%dma_wait3A_528, %dma_wait3A_540, %dma_wait3A_541] : memref<2x128x128xf32, #tpu.memory_space<vmem>> -> memref<1x128x128xf32, #tpu.memory_space<vmem>>
      %dma_wait3A_543 = tpu.memref_squeeze %dma_wait3A_542 : memref<1x128x128xf32, #tpu.memory_space<vmem>> -> memref<128x128xf32, #tpu.memory_space<vmem>>
      %dma_wait3A_544 = arith.constant 0 : i32
      %dma_wait3A_545 = arith.constant 0 : i32
      %dma_wait3A_546 = tpu.memref_slice %arg4[%mul3A_2, %dma_wait3A_544, %dma_wait3A_545] : memref<25600x128x128xf32, #tpu.memory_space<hbm>> -> memref<1x128x128xf32, #tpu.memory_space<hbm>>
      %dma_wait3A_547 = tpu.memref_squeeze %dma_wait3A_546 : memref<1x128x128xf32, #tpu.memory_space<hbm>> -> memref<128x128xf32, #tpu.memory_space<hbm>>
      %dma_wait3A_548 = arith.constant 0 : i32
      %dma_wait3A_549 = arith.constant 0 : i32
      %dma_wait3A_550 = tpu.memref_slice %dma_wait3A_547[%dma_wait3A_548, %dma_wait3A_549] : memref<128x128xf32, #tpu.memory_space<hbm>> -> memref<128x128xf32, #tpu.memory_space<hbm>>
      tpu.wait_dma2 semaphore(%arg12 : memref<!tpu.dma_semaphore, #tpu.memory_space<semaphore_mem>>) src(%dma_wait3A_550 : memref<128x128xf32, #tpu.memory_space<hbm>>) dst(%dma_wait3A_543 : memref<128x128xf32, #tpu.memory_space<vmem>>)
      %dma_wait3A_551 = arith.constant 1 : i32
      %dma_wait3A_552 = arith.constant 0 : i32
      %dma_wait3A_553 = arith.constant 0 : i32
      %dma_wait3A_554 = tpu.memref_slice %arg8[%dma_wait3A_551, %dma_wait3A_552, %dma_wait3A_553] : memref<2x128x128xf32, #tpu.memory_space<vmem>> -> memref<1x128x128xf32, #tpu.memory_space<vmem>>
      %dma_wait3A_555 = tpu.memref_squeeze %dma_wait3A_554 : memref<1x128x128xf32, #tpu.memory_space<vmem>> -> memref<128x128xf32, #tpu.memory_space<vmem>>
      %dma_wait3A_556 = arith.constant 0 : i32
      %dma_wait3A_557 = arith.constant 0 : i32
      %dma_wait3A_558 = tpu.memref_slice %arg4[%mul3A_2, %dma_wait3A_556, %dma_wait3A_557] : memref<25600x128x128xf32, #tpu.memory_space<hbm>> -> memref<1x128x128xf32, #tpu.memory_space<hbm>>
      %dma_wait3A_559 = tpu.memref_squeeze %dma_wait3A_558 : memref<1x128x128xf32, #tpu.memory_space<hbm>> -> memref<128x128xf32, #tpu.memory_space<hbm>>
      %dma_wait3A_560 = arith.constant 0 : i32
      %dma_wait3A_561 = arith.constant 0 : i32
      %dma_wait3A_562 = tpu.memref_slice %dma_wait3A_559[%dma_wait3A_560, %dma_wait3A_561] : memref<128x128xf32, #tpu.memory_space<hbm>> -> memref<128x128xf32, #tpu.memory_space<hbm>>
      %dma_wait3A_563 = arith.constant 0 : i32
      %dma_wait3A_564 = arith.constant 0 : i32
      %dma_wait3A_565 = tpu.memref_slice %arg8[%dma_wait3A_551, %dma_wait3A_563, %dma_wait3A_564] : memref<2x128x128xf32, #tpu.memory_space<vmem>> -> memref<1x128x128xf32, #tpu.memory_space<vmem>>
      %dma_wait3A_566 = tpu.memref_squeeze %dma_wait3A_565 : memref<1x128x128xf32, #tpu.memory_space<vmem>> -> memref<128x128xf32, #tpu.memory_space<vmem>>
      %dma_wait3A_567 = arith.constant 0 : i32
      %dma_wait3A_568 = arith.constant 0 : i32
      %dma_wait3A_569 = tpu.memref_slice %arg4[%mul3A_2, %dma_wait3A_567, %dma_wait3A_568] : memref<25600x128x128xf32, #tpu.memory_space<hbm>> -> memref<1x128x128xf32, #tpu.memory_space<hbm>>
      %dma_wait3A_570 = tpu.memref_squeeze %dma_wait3A_569 : memref<1x128x128xf32, #tpu.memory_space<hbm>> -> memref<128x128xf32, #tpu.memory_space<hbm>>
      %dma_wait3A_571 = arith.constant 0 : i32
      %dma_wait3A_572 = arith.constant 0 : i32
      %dma_wait3A_573 = tpu.memref_slice %dma_wait3A_570[%dma_wait3A_571, %dma_wait3A_572] : memref<128x128xf32, #tpu.memory_space<hbm>> -> memref<128x128xf32, #tpu.memory_space<hbm>>
      tpu.wait_dma2 semaphore(%arg12 : memref<!tpu.dma_semaphore, #tpu.memory_space<semaphore_mem>>) src(%dma_wait3A_573 : memref<128x128xf32, #tpu.memory_space<hbm>>) dst(%dma_wait3A_566 : memref<128x128xf32, #tpu.memory_space<vmem>>)
      %mul3A_574 = arith.constant 2 : i32
      %mul3A_575 = arith.muli %add3A_482, %mul3A_574 : i32
      %add3A_576 = arith.addi %mul3A_2, %mul3A_575 : i32
      %dma_start3A_577 = arith.constant 0 : i32
      %dma_start3A_578 = arith.constant 0 : i32
      %dma_start3A_579 = tpu.memref_slice %arg4[%add3A_576, %dma_start3A_577, %dma_start3A_578] : memref<25600x128x128xf32, #tpu.memory_space<hbm>> -> memref<2x128x128xf32, #tpu.memory_space<hbm>>
      %dma_start3A_580 = arith.constant 0 : i32
      %dma_start3A_581 = arith.constant 0 : i32
      %dma_start3A_582 = tpu.memref_slice %arg4[%add3A_576, %dma_start3A_580, %dma_start3A_581] : memref<25600x128x128xf32, #tpu.memory_space<hbm>> -> memref<2x128x128xf32, #tpu.memory_space<hbm>>
      tpu.enqueue_dma source(%arg8 : memref<2x128x128xf32, #tpu.memory_space<vmem>>) target(%dma_start3A_582 : memref<2x128x128xf32, #tpu.memory_space<hbm>>) target_semaphore(%arg15 : memref<!tpu.dma_semaphore, #tpu.memory_space<semaphore_mem>>)
      %add3A_583 = arith.constant 2 : i32
      %add3A_584 = arith.addi %add3A_378, %add3A_583 : i32
      %dma_wait3A_585 = arith.constant 0 : i32
      %dma_wait3A_586 = arith.constant 0 : i32
      %dma_wait3A_587 = tpu.memref_slice %arg4[%mul3A_2, %dma_wait3A_585, %dma_wait3A_586] : memref<25600x128x128xf32, #tpu.memory_space<hbm>> -> memref<2x128x128xf32, #tpu.memory_space<hbm>>
      %dma_wait3A_588 = arith.constant 0 : i32
      %dma_wait3A_589 = arith.constant 0 : i32
      %dma_wait3A_590 = tpu.memref_slice %arg4[%mul3A_2, %dma_wait3A_588, %dma_wait3A_589] : memref<25600x128x128xf32, #tpu.memory_space<hbm>> -> memref<2x128x128xf32, #tpu.memory_space<hbm>>
      tpu.wait_dma2 semaphore(%arg17 : memref<!tpu.dma_semaphore, #tpu.memory_space<semaphore_mem>>) src(%arg10 : memref<2x128x128xf32, #tpu.memory_space<vmem>>) dst(%dma_wait3A_590 : memref<2x128x128xf32, #tpu.memory_space<hbm>>)
      %dma_wait3A_591 = arith.constant 0 : i32
      %dma_wait3A_592 = tpu.memref_slice %arg2[%mul3A_2, %dma_wait3A_591] : memref<25600x128xi32, #tpu.memory_space<hbm>> -> memref<2x128xi32, #tpu.memory_space<hbm>>
      %dma_wait3A_593 = arith.constant 0 : i32
      %dma_wait3A_594 = tpu.memref_slice %arg2[%mul3A_2, %dma_wait3A_593] : memref<25600x128xi32, #tpu.memory_space<hbm>> -> memref<2x128xi32, #tpu.memory_space<hbm>>
      tpu.wait_dma2 semaphore(%arg20 : memref<!tpu.dma_semaphore, #tpu.memory_space<semaphore_mem>>) src(%dma_wait3A_594 : memref<2x128xi32, #tpu.memory_space<hbm>>) dst(%arg7 : memref<2x128xi32, #tpu.memory_space<vmem>>)
      %add3A_595 = arith.constant 1 : i32
      %add3A_596 = arith.addi %add3A_584, %add3A_595 : i32
      %dma_start3A_597 = arith.constant 0 : i32
      %dma_start3A_598 = arith.constant 0 : i32
      %dma_start3A_599 = arith.constant 0 : i32
      %dma_start3A_600 = arith.constant 0 : i32
      %dma_start3A_601 = tpu.memref_slice %arg10[%dma_start3A_598, %dma_start3A_599, %dma_start3A_600] : memref<2x128x128xf32, #tpu.memory_space<vmem>> -> memref<1x128x128xf32, #tpu.memory_space<vmem>>
      %dma_start3A_602 = tpu.memref_squeeze %dma_start3A_601 : memref<1x128x128xf32, #tpu.memory_space<vmem>> -> memref<128x128xf32, #tpu.memory_space<vmem>>
      %dma_start3A_603 = arith.constant 0 : i32
      %dma_start3A_604 = tpu.memref_slice %arg7[%dma_start3A_597, %dma_start3A_603] : memref<2x128xi32, #tpu.memory_space<vmem>> -> memref<1x128xi32, #tpu.memory_space<vmem>>
      %dma_start3A_605 = tpu.memref_squeeze %dma_start3A_604 : memref<1x128xi32, #tpu.memory_space<vmem>> -> memref<128xi32, #tpu.memory_space<vmem>>
      %dma_start3A_606 = arith.constant 0 : i32
      %dma_start3A_607 = arith.constant 0 : i32
      %dma_start3A_608 = tpu.memref_slice %arg11[%dma_start3A_606, %dma_start3A_607] : memref<1024x128xf32, #tpu.memory_space<vmem_shared>> -> memref<1024x128xf32, #tpu.memory_space<vmem_shared>>
      tpu.enqueue_indirect_dma source(%dma_start3A_608 : memref<1024x128xf32, #tpu.memory_space<vmem_shared>>) target(%dma_start3A_602 : memref<128x128xf32, #tpu.memory_space<vmem>>) offsets(%dma_start3A_605 : memref<128xi32, #tpu.memory_space<vmem>>) semaphore(%arg14 : memref<!tpu.dma_semaphore, #tpu.memory_space<semaphore_mem>>)
      %dma_start3A_609 = arith.constant 1 : i32
      %dma_start3A_610 = arith.constant 1 : i32
      %dma_start3A_611 = arith.constant 0 : i32
      %dma_start3A_612 = arith.constant 0 : i32
      %dma_start3A_613 = tpu.memref_slice %arg10[%dma_start3A_610, %dma_start3A_611, %dma_start3A_612] : memref<2x128x128xf32, #tpu.memory_space<vmem>> -> memref<1x128x128xf32, #tpu.memory_space<vmem>>
      %dma_start3A_614 = tpu.memref_squeeze %dma_start3A_613 : memref<1x128x128xf32, #tpu.memory_space<vmem>> -> memref<128x128xf32, #tpu.memory_space<vmem>>
      %dma_start3A_615 = arith.constant 0 : i32
      %dma_start3A_616 = tpu.memref_slice %arg7[%dma_start3A_609, %dma_start3A_615] : memref<2x128xi32, #tpu.memory_space<vmem>> -> memref<1x128xi32, #tpu.memory_space<vmem>>
      %dma_start3A_617 = tpu.memref_squeeze %dma_start3A_616 : memref<1x128xi32, #tpu.memory_space<vmem>> -> memref<128xi32, #tpu.memory_space<vmem>>
      %dma_start3A_618 = arith.constant 0 : i32
      %dma_start3A_619 = arith.constant 0 : i32
      %dma_start3A_620 = tpu.memref_slice %arg11[%dma_start3A_618, %dma_start3A_619] : memref<1024x128xf32, #tpu.memory_space<vmem_shared>> -> memref<1024x128xf32, #tpu.memory_space<vmem_shared>>
      tpu.enqueue_indirect_dma source(%dma_start3A_620 : memref<1024x128xf32, #tpu.memory_space<vmem_shared>>) target(%dma_start3A_614 : memref<128x128xf32, #tpu.memory_space<vmem>>) offsets(%dma_start3A_617 : memref<128xi32, #tpu.memory_space<vmem>>) semaphore(%arg14 : memref<!tpu.dma_semaphore, #tpu.memory_space<semaphore_mem>>)
      %add3A_621 = arith.constant 2 : i32
      %add3A_622 = arith.addi %add3A_584, %add3A_621 : i32
      %mul3A_623 = arith.constant 2 : i32
      %mul3A_624 = arith.muli %add3A_622, %mul3A_623 : i32
      %add3A_625 = arith.addi %mul3A_2, %mul3A_624 : i32
      %dma_start3A_626 = arith.constant 0 : i32
      %dma_start3A_627 = tpu.memref_slice %arg2[%add3A_625, %dma_start3A_626] : memref<25600x128xi32, #tpu.memory_space<hbm>> -> memref<2x128xi32, #tpu.memory_space<hbm>>
      %dma_start3A_628 = arith.constant 0 : i32
      %dma_start3A_629 = tpu.memref_slice %arg2[%add3A_625, %dma_start3A_628] : memref<25600x128xi32, #tpu.memory_space<hbm>> -> memref<2x128xi32, #tpu.memory_space<hbm>>
      tpu.enqueue_dma source(%dma_start3A_629 : memref<2x128xi32, #tpu.memory_space<hbm>>) target(%arg5 : memref<2x128xi32, #tpu.memory_space<vmem>>) target_semaphore(%arg18 : memref<!tpu.dma_semaphore, #tpu.memory_space<semaphore_mem>>)
      %dma_wait3A_630 = arith.constant 0 : i32
      %dma_wait3A_631 = arith.constant 0 : i32
      %dma_wait3A_632 = arith.constant 0 : i32
      %dma_wait3A_633 = tpu.memref_slice %arg9[%dma_wait3A_630, %dma_wait3A_631, %dma_wait3A_632] : memref<2x128x128xf32, #tpu.memory_space<vmem>> -> memref<1x128x128xf32, #tpu.memory_space<vmem>>
      %dma_wait3A_634 = tpu.memref_squeeze %dma_wait3A_633 : memref<1x128x128xf32, #tpu.memory_space<vmem>> -> memref<128x128xf32, #tpu.memory_space<vmem>>
      %dma_wait3A_635 = arith.constant 0 : i32
      %dma_wait3A_636 = arith.constant 0 : i32
      %dma_wait3A_637 = tpu.memref_slice %arg4[%mul3A_2, %dma_wait3A_635, %dma_wait3A_636] : memref<25600x128x128xf32, #tpu.memory_space<hbm>> -> memref<1x128x128xf32, #tpu.memory_space<hbm>>
      %dma_wait3A_638 = tpu.memref_squeeze %dma_wait3A_637 : memref<1x128x128xf32, #tpu.memory_space<hbm>> -> memref<128x128xf32, #tpu.memory_space<hbm>>
      %dma_wait3A_639 = arith.constant 0 : i32
      %dma_wait3A_640 = arith.constant 0 : i32
      %dma_wait3A_641 = tpu.memref_slice %dma_wait3A_638[%dma_wait3A_639, %dma_wait3A_640] : memref<128x128xf32, #tpu.memory_space<hbm>> -> memref<128x128xf32, #tpu.memory_space<hbm>>
      %dma_wait3A_642 = arith.constant 0 : i32
      %dma_wait3A_643 = arith.constant 0 : i32
      %dma_wait3A_644 = tpu.memref_slice %arg9[%dma_wait3A_630, %dma_wait3A_642, %dma_wait3A_643] : memref<2x128x128xf32, #tpu.memory_space<vmem>> -> memref<1x128x128xf32, #tpu.memory_space<vmem>>
      %dma_wait3A_645 = tpu.memref_squeeze %dma_wait3A_644 : memref<1x128x128xf32, #tpu.memory_space<vmem>> -> memref<128x128xf32, #tpu.memory_space<vmem>>
      %dma_wait3A_646 = arith.constant 0 : i32
      %dma_wait3A_647 = arith.constant 0 : i32
      %dma_wait3A_648 = tpu.memref_slice %arg4[%mul3A_2, %dma_wait3A_646, %dma_wait3A_647] : memref<25600x128x128xf32, #tpu.memory_space<hbm>> -> memref<1x128x128xf32, #tpu.memory_space<hbm>>
      %dma_wait3A_649 = tpu.memref_squeeze %dma_wait3A_648 : memref<1x128x128xf32, #tpu.memory_space<hbm>> -> memref<128x128xf32, #tpu.memory_space<hbm>>
      %dma_wait3A_650 = arith.constant 0 : i32
      %dma_wait3A_651 = arith.constant 0 : i32
      %dma_wait3A_652 = tpu.memref_slice %dma_wait3A_649[%dma_wait3A_650, %dma_wait3A_651] : memref<128x128xf32, #tpu.memory_space<hbm>> -> memref<128x128xf32, #tpu.memory_space<hbm>>
      tpu.wait_dma2 semaphore(%arg13 : memref<!tpu.dma_semaphore, #tpu.memory_space<semaphore_mem>>) src(%dma_wait3A_652 : memref<128x128xf32, #tpu.memory_space<hbm>>) dst(%dma_wait3A_645 : memref<128x128xf32, #tpu.memory_space<vmem>>)
      %dma_wait3A_653 = arith.constant 1 : i32
      %dma_wait3A_654 = arith.constant 0 : i32
      %dma_wait3A_655 = arith.constant 0 : i32
      %dma_wait3A_656 = tpu.memref_slice %arg9[%dma_wait3A_653, %dma_wait3A_654, %dma_wait3A_655] : memref<2x128x128xf32, #tpu.memory_space<vmem>> -> memref<1x128x128xf32, #tpu.memory_space<vmem>>
      %dma_wait3A_657 = tpu.memref_squeeze %dma_wait3A_656 : memref<1x128x128xf32, #tpu.memory_space<vmem>> -> memref<128x128xf32, #tpu.memory_space<vmem>>
      %dma_wait3A_658 = arith.constant 0 : i32
      %dma_wait3A_659 = arith.constant 0 : i32
      %dma_wait3A_660 = tpu.memref_slice %arg4[%mul3A_2, %dma_wait3A_658, %dma_wait3A_659] : memref<25600x128x128xf32, #tpu.memory_space<hbm>> -> memref<1x128x128xf32, #tpu.memory_space<hbm>>
      %dma_wait3A_661 = tpu.memref_squeeze %dma_wait3A_660 : memref<1x128x128xf32, #tpu.memory_space<hbm>> -> memref<128x128xf32, #tpu.memory_space<hbm>>
      %dma_wait3A_662 = arith.constant 0 : i32
      %dma_wait3A_663 = arith.constant 0 : i32
      %dma_wait3A_664 = tpu.memref_slice %dma_wait3A_661[%dma_wait3A_662, %dma_wait3A_663] : memref<128x128xf32, #tpu.memory_space<hbm>> -> memref<128x128xf32, #tpu.memory_space<hbm>>
      %dma_wait3A_665 = arith.constant 0 : i32
      %dma_wait3A_666 = arith.constant 0 : i32
      %dma_wait3A_667 = tpu.memref_slice %arg9[%dma_wait3A_653, %dma_wait3A_665, %dma_wait3A_666] : memref<2x128x128xf32, #tpu.memory_space<vmem>> -> memref<1x128x128xf32, #tpu.memory_space<vmem>>
      %dma_wait3A_668 = tpu.memref_squeeze %dma_wait3A_667 : memref<1x128x128xf32, #tpu.memory_space<vmem>> -> memref<128x128xf32, #tpu.memory_space<vmem>>
      %dma_wait3A_669 = arith.constant 0 : i32
      %dma_wait3A_670 = arith.constant 0 : i32
      %dma_wait3A_671 = tpu.memref_slice %arg4[%mul3A_2, %dma_wait3A_669, %dma_wait3A_670] : memref<25600x128x128xf32, #tpu.memory_space<hbm>> -> memref<1x128x128xf32, #tpu.memory_space<hbm>>
      %dma_wait3A_672 = tpu.memref_squeeze %dma_wait3A_671 : memref<1x128x128xf32, #tpu.memory_space<hbm>> -> memref<128x128xf32, #tpu.memory_space<hbm>>
      %dma_wait3A_673 = arith.constant 0 : i32
      %dma_wait3A_674 = arith.constant 0 : i32
      %dma_wait3A_675 = tpu.memref_slice %dma_wait3A_672[%dma_wait3A_673, %dma_wait3A_674] : memref<128x128xf32, #tpu.memory_space<hbm>> -> memref<128x128xf32, #tpu.memory_space<hbm>>
      tpu.wait_dma2 semaphore(%arg13 : memref<!tpu.dma_semaphore, #tpu.memory_space<semaphore_mem>>) src(%dma_wait3A_675 : memref<128x128xf32, #tpu.memory_space<hbm>>) dst(%dma_wait3A_668 : memref<128x128xf32, #tpu.memory_space<vmem>>)
      %mul3A_676 = arith.constant 2 : i32
      %mul3A_677 = arith.muli %add3A_584, %mul3A_676 : i32
      %add3A_678 = arith.addi %mul3A_2, %mul3A_677 : i32
      %dma_start3A_679 = arith.constant 0 : i32
      %dma_start3A_680 = arith.constant 0 : i32
      %dma_start3A_681 = tpu.memref_slice %arg4[%add3A_678, %dma_start3A_679, %dma_start3A_680] : memref<25600x128x128xf32, #tpu.memory_space<hbm>> -> memref<2x128x128xf32, #tpu.memory_space<hbm>>
      %dma_start3A_682 = arith.constant 0 : i32
      %dma_start3A_683 = arith.constant 0 : i32
      %dma_start3A_684 = tpu.memref_slice %arg4[%add3A_678, %dma_start3A_682, %dma_start3A_683] : memref<25600x128x128xf32, #tpu.memory_space<hbm>> -> memref<2x128x128xf32, #tpu.memory_space<hbm>>
      tpu.enqueue_dma source(%arg9 : memref<2x128x128xf32, #tpu.memory_space<vmem>>) target(%dma_start3A_684 : memref<2x128x128xf32, #tpu.memory_space<hbm>>) target_semaphore(%arg16 : memref<!tpu.dma_semaphore, #tpu.memory_space<semaphore_mem>>)
    }
    %scan3A_213 = arith.constant 132 : i32
    %dma_wait3A_214 = arith.constant 0 : i32
    %dma_wait3A_215 = arith.constant 0 : i32
    %dma_wait3A_216 = tpu.memref_slice %arg4[%mul3A_2, %dma_wait3A_214, %dma_wait3A_215] : memref<25600x128x128xf32, #tpu.memory_space<hbm>> -> memref<2x128x128xf32, #tpu.memory_space<hbm>>
    %dma_wait3A_217 = arith.constant 0 : i32
    %dma_wait3A_218 = arith.constant 0 : i32
    %dma_wait3A_219 = tpu.memref_slice %arg4[%mul3A_2, %dma_wait3A_217, %dma_wait3A_218] : memref<25600x128x128xf32, #tpu.memory_space<hbm>> -> memref<2x128x128xf32, #tpu.memory_space<hbm>>
    tpu.wait_dma2 semaphore(%arg15 : memref<!tpu.dma_semaphore, #tpu.memory_space<semaphore_mem>>) src(%arg8 : memref<2x128x128xf32, #tpu.memory_space<vmem>>) dst(%dma_wait3A_219 : memref<2x128x128xf32, #tpu.memory_space<hbm>>)
    %dma_wait3A_220 = arith.constant 0 : i32
    %dma_wait3A_221 = tpu.memref_slice %arg2[%mul3A_2, %dma_wait3A_220] : memref<25600x128xi32, #tpu.memory_space<hbm>> -> memref<2x128xi32, #tpu.memory_space<hbm>>
    %dma_wait3A_222 = arith.constant 0 : i32
    %dma_wait3A_223 = tpu.memref_slice %arg2[%mul3A_2, %dma_wait3A_222] : memref<25600x128xi32, #tpu.memory_space<hbm>> -> memref<2x128xi32, #tpu.memory_space<hbm>>
    tpu.wait_dma2 semaphore(%arg18 : memref<!tpu.dma_semaphore, #tpu.memory_space<semaphore_mem>>) src(%dma_wait3A_223 : memref<2x128xi32, #tpu.memory_space<hbm>>) dst(%arg5 : memref<2x128xi32, #tpu.memory_space<vmem>>)
    %dma_start3A_224 = arith.constant 0 : i32
    %dma_start3A_225 = arith.constant 0 : i32
    %dma_start3A_226 = arith.constant 0 : i32
    %dma_start3A_227 = arith.constant 0 : i32
    %dma_start3A_228 = tpu.memref_slice %arg8[%dma_start3A_225, %dma_start3A_226, %dma_start3A_227] : memref<2x128x128xf32, #tpu.memory_space<vmem>> -> memref<1x128x128xf32, #tpu.memory_space<vmem>>
    %dma_start3A_229 = tpu.memref_squeeze %dma_start3A_228 : memref<1x128x128xf32, #tpu.memory_space<vmem>> -> memref<128x128xf32, #tpu.memory_space<vmem>>
    %dma_start3A_230 = arith.constant 0 : i32
    %dma_start3A_231 = tpu.memref_slice %arg5[%dma_start3A_224, %dma_start3A_230] : memref<2x128xi32, #tpu.memory_space<vmem>> -> memref<1x128xi32, #tpu.memory_space<vmem>>
    %dma_start3A_232 = tpu.memref_squeeze %dma_start3A_231 : memref<1x128xi32, #tpu.memory_space<vmem>> -> memref<128xi32, #tpu.memory_space<vmem>>
    %dma_start3A_233 = arith.constant 0 : i32
    %dma_start3A_234 = arith.constant 0 : i32
    %dma_start3A_235 = tpu.memref_slice %arg11[%dma_start3A_233, %dma_start3A_234] : memref<1024x128xf32, #tpu.memory_space<vmem_shared>> -> memref<1024x128xf32, #tpu.memory_space<vmem_shared>>
    tpu.enqueue_indirect_dma source(%dma_start3A_235 : memref<1024x128xf32, #tpu.memory_space<vmem_shared>>) target(%dma_start3A_229 : memref<128x128xf32, #tpu.memory_space<vmem>>) offsets(%dma_start3A_232 : memref<128xi32, #tpu.memory_space<vmem>>) semaphore(%arg12 : memref<!tpu.dma_semaphore, #tpu.memory_space<semaphore_mem>>)
    %dma_start3A_236 = arith.constant 1 : i32
    %dma_start3A_237 = arith.constant 1 : i32
    %dma_start3A_238 = arith.constant 0 : i32
    %dma_start3A_239 = arith.constant 0 : i32
    %dma_start3A_240 = tpu.memref_slice %arg8[%dma_start3A_237, %dma_start3A_238, %dma_start3A_239] : memref<2x128x128xf32, #tpu.memory_space<vmem>> -> memref<1x128x128xf32, #tpu.memory_space<vmem>>
    %dma_start3A_241 = tpu.memref_squeeze %dma_start3A_240 : memref<1x128x128xf32, #tpu.memory_space<vmem>> -> memref<128x128xf32, #tpu.memory_space<vmem>>
    %dma_start3A_242 = arith.constant 0 : i32
    %dma_start3A_243 = tpu.memref_slice %arg5[%dma_start3A_236, %dma_start3A_242] : memref<2x128xi32, #tpu.memory_space<vmem>> -> memref<1x128xi32, #tpu.memory_space<vmem>>
    %dma_start3A_244 = tpu.memref_squeeze %dma_start3A_243 : memref<1x128xi32, #tpu.memory_space<vmem>> -> memref<128xi32, #tpu.memory_space<vmem>>
    %dma_start3A_245 = arith.constant 0 : i32
    %dma_start3A_246 = arith.constant 0 : i32
    %dma_start3A_247 = tpu.memref_slice %arg11[%dma_start3A_245, %dma_start3A_246] : memref<1024x128xf32, #tpu.memory_space<vmem_shared>> -> memref<1024x128xf32, #tpu.memory_space<vmem_shared>>
    tpu.enqueue_indirect_dma source(%dma_start3A_247 : memref<1024x128xf32, #tpu.memory_space<vmem_shared>>) target(%dma_start3A_241 : memref<128x128xf32, #tpu.memory_space<vmem>>) offsets(%dma_start3A_244 : memref<128xi32, #tpu.memory_space<vmem>>) semaphore(%arg12 : memref<!tpu.dma_semaphore, #tpu.memory_space<semaphore_mem>>)
    %dma_wait3A_248 = arith.constant 0 : i32
    %dma_wait3A_249 = arith.constant 0 : i32
    %dma_wait3A_250 = arith.constant 0 : i32
    %dma_wait3A_251 = tpu.memref_slice %arg10[%dma_wait3A_248, %dma_wait3A_249, %dma_wait3A_250] : memref<2x128x128xf32, #tpu.memory_space<vmem>> -> memref<1x128x128xf32, #tpu.memory_space<vmem>>
    %dma_wait3A_252 = tpu.memref_squeeze %dma_wait3A_251 : memref<1x128x128xf32, #tpu.memory_space<vmem>> -> memref<128x128xf32, #tpu.memory_space<vmem>>
    %dma_wait3A_253 = arith.constant 0 : i32
    %dma_wait3A_254 = arith.constant 0 : i32
    %dma_wait3A_255 = tpu.memref_slice %arg4[%mul3A_2, %dma_wait3A_253, %dma_wait3A_254] : memref<25600x128x128xf32, #tpu.memory_space<hbm>> -> memref<1x128x128xf32, #tpu.memory_space<hbm>>
    %dma_wait3A_256 = tpu.memref_squeeze %dma_wait3A_255 : memref<1x128x128xf32, #tpu.memory_space<hbm>> -> memref<128x128xf32, #tpu.memory_space<hbm>>
    %dma_wait3A_257 = arith.constant 0 : i32
    %dma_wait3A_258 = arith.constant 0 : i32
    %dma_wait3A_259 = tpu.memref_slice %dma_wait3A_256[%dma_wait3A_257, %dma_wait3A_258] : memref<128x128xf32, #tpu.memory_space<hbm>> -> memref<128x128xf32, #tpu.memory_space<hbm>>
    %dma_wait3A_260 = arith.constant 0 : i32
    %dma_wait3A_261 = arith.constant 0 : i32
    %dma_wait3A_262 = tpu.memref_slice %arg10[%dma_wait3A_248, %dma_wait3A_260, %dma_wait3A_261] : memref<2x128x128xf32, #tpu.memory_space<vmem>> -> memref<1x128x128xf32, #tpu.memory_space<vmem>>
    %dma_wait3A_263 = tpu.memref_squeeze %dma_wait3A_262 : memref<1x128x128xf32, #tpu.memory_space<vmem>> -> memref<128x128xf32, #tpu.memory_space<vmem>>
    %dma_wait3A_264 = arith.constant 0 : i32
    %dma_wait3A_265 = arith.constant 0 : i32
    %dma_wait3A_266 = tpu.memref_slice %arg4[%mul3A_2, %dma_wait3A_264, %dma_wait3A_265] : memref<25600x128x128xf32, #tpu.memory_space<hbm>> -> memref<1x128x128xf32, #tpu.memory_space<hbm>>
    %dma_wait3A_267 = tpu.memref_squeeze %dma_wait3A_266 : memref<1x128x128xf32, #tpu.memory_space<hbm>> -> memref<128x128xf32, #tpu.memory_space<hbm>>
    %dma_wait3A_268 = arith.constant 0 : i32
    %dma_wait3A_269 = arith.constant 0 : i32
    %dma_wait3A_270 = tpu.memref_slice %dma_wait3A_267[%dma_wait3A_268, %dma_wait3A_269] : memref<128x128xf32, #tpu.memory_space<hbm>> -> memref<128x128xf32, #tpu.memory_space<hbm>>
    tpu.wait_dma2 semaphore(%arg14 : memref<!tpu.dma_semaphore, #tpu.memory_space<semaphore_mem>>) src(%dma_wait3A_270 : memref<128x128xf32, #tpu.memory_space<hbm>>) dst(%dma_wait3A_263 : memref<128x128xf32, #tpu.memory_space<vmem>>)
    %dma_wait3A_271 = arith.constant 1 : i32
    %dma_wait3A_272 = arith.constant 0 : i32
    %dma_wait3A_273 = arith.constant 0 : i32
    %dma_wait3A_274 = tpu.memref_slice %arg10[%dma_wait3A_271, %dma_wait3A_272, %dma_wait3A_273] : memref<2x128x128xf32, #tpu.memory_space<vmem>> -> memref<1x128x128xf32, #tpu.memory_space<vmem>>
    %dma_wait3A_275 = tpu.memref_squeeze %dma_wait3A_274 : memref<1x128x128xf32, #tpu.memory_space<vmem>> -> memref<128x128xf32, #tpu.memory_space<vmem>>
    %dma_wait3A_276 = arith.constant 0 : i32
    %dma_wait3A_277 = arith.constant 0 : i32
    %dma_wait3A_278 = tpu.memref_slice %arg4[%mul3A_2, %dma_wait3A_276, %dma_wait3A_277] : memref<25600x128x128xf32, #tpu.memory_space<hbm>> -> memref<1x128x128xf32, #tpu.memory_space<hbm>>
    %dma_wait3A_279 = tpu.memref_squeeze %dma_wait3A_278 : memref<1x128x128xf32, #tpu.memory_space<hbm>> -> memref<128x128xf32, #tpu.memory_space<hbm>>
    %dma_wait3A_280 = arith.constant 0 : i32
    %dma_wait3A_281 = arith.constant 0 : i32
    %dma_wait3A_282 = tpu.memref_slice %dma_wait3A_279[%dma_wait3A_280, %dma_wait3A_281] : memref<128x128xf32, #tpu.memory_space<hbm>> -> memref<128x128xf32, #tpu.memory_space<hbm>>
    %dma_wait3A_283 = arith.constant 0 : i32
    %dma_wait3A_284 = arith.constant 0 : i32
    %dma_wait3A_285 = tpu.memref_slice %arg10[%dma_wait3A_271, %dma_wait3A_283, %dma_wait3A_284] : memref<2x128x128xf32, #tpu.memory_space<vmem>> -> memref<1x128x128xf32, #tpu.memory_space<vmem>>
    %dma_wait3A_286 = tpu.memref_squeeze %dma_wait3A_285 : memref<1x128x128xf32, #tpu.memory_space<vmem>> -> memref<128x128xf32, #tpu.memory_space<vmem>>
    %dma_wait3A_287 = arith.constant 0 : i32
    %dma_wait3A_288 = arith.constant 0 : i32
    %dma_wait3A_289 = tpu.memref_slice %arg4[%mul3A_2, %dma_wait3A_287, %dma_wait3A_288] : memref<25600x128x128xf32, #tpu.memory_space<hbm>> -> memref<1x128x128xf32, #tpu.memory_space<hbm>>
    %dma_wait3A_290 = tpu.memref_squeeze %dma_wait3A_289 : memref<1x128x128xf32, #tpu.memory_space<hbm>> -> memref<128x128xf32, #tpu.memory_space<hbm>>
    %dma_wait3A_291 = arith.constant 0 : i32
    %dma_wait3A_292 = arith.constant 0 : i32
    %dma_wait3A_293 = tpu.memref_slice %dma_wait3A_290[%dma_wait3A_291, %dma_wait3A_292] : memref<128x128xf32, #tpu.memory_space<hbm>> -> memref<128x128xf32, #tpu.memory_space<hbm>>
    tpu.wait_dma2 semaphore(%arg14 : memref<!tpu.dma_semaphore, #tpu.memory_space<semaphore_mem>>) src(%dma_wait3A_293 : memref<128x128xf32, #tpu.memory_space<hbm>>) dst(%dma_wait3A_286 : memref<128x128xf32, #tpu.memory_space<vmem>>)
    %add3A_294 = arith.constant 796 : i32
    %add3A_295 = arith.addi %mul3A_2, %add3A_294 : i32
    %dma_start3A_296 = arith.constant 0 : i32
    %dma_start3A_297 = arith.constant 0 : i32
    %dma_start3A_298 = tpu.memref_slice %arg4[%add3A_295, %dma_start3A_296, %dma_start3A_297] : memref<25600x128x128xf32, #tpu.memory_space<hbm>> -> memref<2x128x128xf32, #tpu.memory_space<hbm>>
    %dma_start3A_299 = arith.constant 0 : i32
    %dma_start3A_300 = arith.constant 0 : i32
    %dma_start3A_301 = tpu.memref_slice %arg4[%add3A_295, %dma_start3A_299, %dma_start3A_300] : memref<25600x128x128xf32, #tpu.memory_space<hbm>> -> memref<2x128x128xf32, #tpu.memory_space<hbm>>
    tpu.enqueue_dma source(%arg10 : memref<2x128x128xf32, #tpu.memory_space<vmem>>) target(%dma_start3A_301 : memref<2x128x128xf32, #tpu.memory_space<hbm>>) target_semaphore(%arg17 : memref<!tpu.dma_semaphore, #tpu.memory_space<semaphore_mem>>)
    %dma_wait3A_302 = arith.constant 0 : i32
    %dma_wait3A_303 = arith.constant 0 : i32
    %dma_wait3A_304 = arith.constant 0 : i32
    %dma_wait3A_305 = tpu.memref_slice %arg8[%dma_wait3A_302, %dma_wait3A_303, %dma_wait3A_304] : memref<2x128x128xf32, #tpu.memory_space<vmem>> -> memref<1x128x128xf32, #tpu.memory_space<vmem>>
    %dma_wait3A_306 = tpu.memref_squeeze %dma_wait3A_305 : memref<1x128x128xf32, #tpu.memory_space<vmem>> -> memref<128x128xf32, #tpu.memory_space<vmem>>
    %dma_wait3A_307 = arith.constant 0 : i32
    %dma_wait3A_308 = arith.constant 0 : i32
    %dma_wait3A_309 = tpu.memref_slice %arg4[%mul3A_2, %dma_wait3A_307, %dma_wait3A_308] : memref<25600x128x128xf32, #tpu.memory_space<hbm>> -> memref<1x128x128xf32, #tpu.memory_space<hbm>>
    %dma_wait3A_310 = tpu.memref_squeeze %dma_wait3A_309 : memref<1x128x128xf32, #tpu.memory_space<hbm>> -> memref<128x128xf32, #tpu.memory_space<hbm>>
    %dma_wait3A_311 = arith.constant 0 : i32
    %dma_wait3A_312 = arith.constant 0 : i32
    %dma_wait3A_313 = tpu.memref_slice %dma_wait3A_310[%dma_wait3A_311, %dma_wait3A_312] : memref<128x128xf32, #tpu.memory_space<hbm>> -> memref<128x128xf32, #tpu.memory_space<hbm>>
    %dma_wait3A_314 = arith.constant 0 : i32
    %dma_wait3A_315 = arith.constant 0 : i32
    %dma_wait3A_316 = tpu.memref_slice %arg8[%dma_wait3A_302, %dma_wait3A_314, %dma_wait3A_315] : memref<2x128x128xf32, #tpu.memory_space<vmem>> -> memref<1x128x128xf32, #tpu.memory_space<vmem>>
    %dma_wait3A_317 = tpu.memref_squeeze %dma_wait3A_316 : memref<1x128x128xf32, #tpu.memory_space<vmem>> -> memref<128x128xf32, #tpu.memory_space<vmem>>
    %dma_wait3A_318 = arith.constant 0 : i32
    %dma_wait3A_319 = arith.constant 0 : i32
    %dma_wait3A_320 = tpu.memref_slice %arg4[%mul3A_2, %dma_wait3A_318, %dma_wait3A_319] : memref<25600x128x128xf32, #tpu.memory_space<hbm>> -> memref<1x128x128xf32, #tpu.memory_space<hbm>>
    %dma_wait3A_321 = tpu.memref_squeeze %dma_wait3A_320 : memref<1x128x128xf32, #tpu.memory_space<hbm>> -> memref<128x128xf32, #tpu.memory_space<hbm>>
    %dma_wait3A_322 = arith.constant 0 : i32
    %dma_wait3A_323 = arith.constant 0 : i32
    %dma_wait3A_324 = tpu.memref_slice %dma_wait3A_321[%dma_wait3A_322, %dma_wait3A_323] : memref<128x128xf32, #tpu.memory_space<hbm>> -> memref<128x128xf32, #tpu.memory_space<hbm>>
    tpu.wait_dma2 semaphore(%arg12 : memref<!tpu.dma_semaphore, #tpu.memory_space<semaphore_mem>>) src(%dma_wait3A_324 : memref<128x128xf32, #tpu.memory_space<hbm>>) dst(%dma_wait3A_317 : memref<128x128xf32, #tpu.memory_space<vmem>>)
    %dma_wait3A_325 = arith.constant 1 : i32
    %dma_wait3A_326 = arith.constant 0 : i32
    %dma_wait3A_327 = arith.constant 0 : i32
    %dma_wait3A_328 = tpu.memref_slice %arg8[%dma_wait3A_325, %dma_wait3A_326, %dma_wait3A_327] : memref<2x128x128xf32, #tpu.memory_space<vmem>> -> memref<1x128x128xf32, #tpu.memory_space<vmem>>
    %dma_wait3A_329 = tpu.memref_squeeze %dma_wait3A_328 : memref<1x128x128xf32, #tpu.memory_space<vmem>> -> memref<128x128xf32, #tpu.memory_space<vmem>>
    %dma_wait3A_330 = arith.constant 0 : i32
    %dma_wait3A_331 = arith.constant 0 : i32
    %dma_wait3A_332 = tpu.memref_slice %arg4[%mul3A_2, %dma_wait3A_330, %dma_wait3A_331] : memref<25600x128x128xf32, #tpu.memory_space<hbm>> -> memref<1x128x128xf32, #tpu.memory_space<hbm>>
    %dma_wait3A_333 = tpu.memref_squeeze %dma_wait3A_332 : memref<1x128x128xf32, #tpu.memory_space<hbm>> -> memref<128x128xf32, #tpu.memory_space<hbm>>
    %dma_wait3A_334 = arith.constant 0 : i32
    %dma_wait3A_335 = arith.constant 0 : i32
    %dma_wait3A_336 = tpu.memref_slice %dma_wait3A_333[%dma_wait3A_334, %dma_wait3A_335] : memref<128x128xf32, #tpu.memory_space<hbm>> -> memref<128x128xf32, #tpu.memory_space<hbm>>
    %dma_wait3A_337 = arith.constant 0 : i32
    %dma_wait3A_338 = arith.constant 0 : i32
    %dma_wait3A_339 = tpu.memref_slice %arg8[%dma_wait3A_325, %dma_wait3A_337, %dma_wait3A_338] : memref<2x128x128xf32, #tpu.memory_space<vmem>> -> memref<1x128x128xf32, #tpu.memory_space<vmem>>
    %dma_wait3A_340 = tpu.memref_squeeze %dma_wait3A_339 : memref<1x128x128xf32, #tpu.memory_space<vmem>> -> memref<128x128xf32, #tpu.memory_space<vmem>>
    %dma_wait3A_341 = arith.constant 0 : i32
    %dma_wait3A_342 = arith.constant 0 : i32
    %dma_wait3A_343 = tpu.memref_slice %arg4[%mul3A_2, %dma_wait3A_341, %dma_wait3A_342] : memref<25600x128x128xf32, #tpu.memory_space<hbm>> -> memref<1x128x128xf32, #tpu.memory_space<hbm>>
    %dma_wait3A_344 = tpu.memref_squeeze %dma_wait3A_343 : memref<1x128x128xf32, #tpu.memory_space<hbm>> -> memref<128x128xf32, #tpu.memory_space<hbm>>
    %dma_wait3A_345 = arith.constant 0 : i32
    %dma_wait3A_346 = arith.constant 0 : i32
    %dma_wait3A_347 = tpu.memref_slice %dma_wait3A_344[%dma_wait3A_345, %dma_wait3A_346] : memref<128x128xf32, #tpu.memory_space<hbm>> -> memref<128x128xf32, #tpu.memory_space<hbm>>
    tpu.wait_dma2 semaphore(%arg12 : memref<!tpu.dma_semaphore, #tpu.memory_space<semaphore_mem>>) src(%dma_wait3A_347 : memref<128x128xf32, #tpu.memory_space<hbm>>) dst(%dma_wait3A_340 : memref<128x128xf32, #tpu.memory_space<vmem>>)
    %add3A_348 = arith.constant 798 : i32
    %add3A_349 = arith.addi %mul3A_2, %add3A_348 : i32
    %dma_start3A_350 = arith.constant 0 : i32
    %dma_start3A_351 = arith.constant 0 : i32
    %dma_start3A_352 = tpu.memref_slice %arg4[%add3A_349, %dma_start3A_350, %dma_start3A_351] : memref<25600x128x128xf32, #tpu.memory_space<hbm>> -> memref<2x128x128xf32, #tpu.memory_space<hbm>>
    %dma_start3A_353 = arith.constant 0 : i32
    %dma_start3A_354 = arith.constant 0 : i32
    %dma_start3A_355 = tpu.memref_slice %arg4[%add3A_349, %dma_start3A_353, %dma_start3A_354] : memref<25600x128x128xf32, #tpu.memory_space<hbm>> -> memref<2x128x128xf32, #tpu.memory_space<hbm>>
    tpu.enqueue_dma source(%arg8 : memref<2x128x128xf32, #tpu.memory_space<vmem>>) target(%dma_start3A_355 : memref<2x128x128xf32, #tpu.memory_space<hbm>>) target_semaphore(%arg15 : memref<!tpu.dma_semaphore, #tpu.memory_space<semaphore_mem>>)
    %dma_wait3A_356 = arith.constant 0 : i32
    %dma_wait3A_357 = arith.constant 0 : i32
    %dma_wait3A_358 = tpu.memref_slice %arg4[%mul3A_2, %dma_wait3A_356, %dma_wait3A_357] : memref<25600x128x128xf32, #tpu.memory_space<hbm>> -> memref<2x128x128xf32, #tpu.memory_space<hbm>>
    %dma_wait3A_359 = arith.constant 0 : i32
    %dma_wait3A_360 = arith.constant 0 : i32
    %dma_wait3A_361 = tpu.memref_slice %arg4[%mul3A_2, %dma_wait3A_359, %dma_wait3A_360] : memref<25600x128x128xf32, #tpu.memory_space<hbm>> -> memref<2x128x128xf32, #tpu.memory_space<hbm>>
    tpu.wait_dma2 semaphore(%arg16 : memref<!tpu.dma_semaphore, #tpu.memory_space<semaphore_mem>>) src(%arg9 : memref<2x128x128xf32, #tpu.memory_space<vmem>>) dst(%dma_wait3A_361 : memref<2x128x128xf32, #tpu.memory_space<hbm>>)
    %dma_wait3A_362 = arith.constant 0 : i32
    %dma_wait3A_363 = arith.constant 0 : i32
    %dma_wait3A_364 = tpu.memref_slice %arg4[%mul3A_2, %dma_wait3A_362, %dma_wait3A_363] : memref<25600x128x128xf32, #tpu.memory_space<hbm>> -> memref<2x128x128xf32, #tpu.memory_space<hbm>>
    %dma_wait3A_365 = arith.constant 0 : i32
    %dma_wait3A_366 = arith.constant 0 : i32
    %dma_wait3A_367 = tpu.memref_slice %arg4[%mul3A_2, %dma_wait3A_365, %dma_wait3A_366] : memref<25600x128x128xf32, #tpu.memory_space<hbm>> -> memref<2x128x128xf32, #tpu.memory_space<hbm>>
    tpu.wait_dma2 semaphore(%arg17 : memref<!tpu.dma_semaphore, #tpu.memory_space<semaphore_mem>>) src(%arg10 : memref<2x128x128xf32, #tpu.memory_space<vmem>>) dst(%dma_wait3A_367 : memref<2x128x128xf32, #tpu.memory_space<hbm>>)
    %dma_wait3A_368 = arith.constant 0 : i32
    %dma_wait3A_369 = arith.constant 0 : i32
    %dma_wait3A_370 = tpu.memref_slice %arg4[%mul3A_2, %dma_wait3A_368, %dma_wait3A_369] : memref<25600x128x128xf32, #tpu.memory_space<hbm>> -> memref<2x128x128xf32, #tpu.memory_space<hbm>>
    %dma_wait3A_371 = arith.constant 0 : i32
    %dma_wait3A_372 = arith.constant 0 : i32
    %dma_wait3A_373 = tpu.memref_slice %arg4[%mul3A_2, %dma_wait3A_371, %dma_wait3A_372] : memref<25600x128x128xf32, #tpu.memory_space<hbm>> -> memref<2x128x128xf32, #tpu.memory_space<hbm>>
    tpu.wait_dma2 semaphore(%arg15 : memref<!tpu.dma_semaphore, #tpu.memory_space<semaphore_mem>>) src(%arg8 : memref<2x128x128xf32, #tpu.memory_space<vmem>>) dst(%dma_wait3A_373 : memref<2x128x128xf32, #tpu.memory_space<hbm>>)
    return
  }
}

</mosaic_0001>

<sc_bundles>
// kernel: _sc_gather.3.cloned.1.call-start
scs
__scs_entry_jumppad:
0x0: {  	(pc) =	sbr.rel $0x88, $3  }
0x1: {  	(tag) =	ssettag $0x0;
	lr =	simm.s32 $0x1  }
0x2: {  	[smem:$0x3F9F] =	sst lr;
	_ =	strace $0xD0000000  }
0x3: {  	_ = 	snop  }
0x4: {  	_ = 	snop  }
0x5: {  	_ = 	snop  }
0x6: {  	_ = 	snop  }
0x7: {  	_ = 	snop  }
__scs_overlays_trampoline_lowered:
0x8: {  	[smem:$0x3FAE] =	sst s0  }
0x9: {  	[smem:$0x3FAF] =	sst s1  }
0xa: {  	[smem:$0x3FB0] =	sst s2  }
0xb: {  	[smem:$0x3FB1] =	sst s3  }
0xc: {  	[smem:$0x3FB2] =	sst s4  }
0xd: {  	[smem:$0x3FB3] =	sst s5  }
0xe: {  	[smem:$0x3FB4] =	sst s6  }
0xf: {  	[smem:$0x3FB5] =	sst s7  }
0x10: {  	[smem:$0x3FB6] =	sst s8  }
0x11: {  	[smem:$0x3FB7] =	sst s9;
	s0 =	simm.s32 @!p0 $0x0  }
0x12: {  	s1 =	sld [smem:$0x3F9D];
	s0 =	simm.s32 @p0 $0x1  }
0x13: {  	[smem:$0x3FB8] =	sst s0;
	s0 =	simm.s32 @!p1 $0x0  }
0x14: {  	s2 =	sld [smem:$0x3F9C];
	s0 =	simm.s32 @p1 $0x1  }
0x15: {  	[smem:$0x3FB9] =	sst s0;
	s0 =	simm.s32 @!p2 $0x0  }
0x16: {  	s3 =	sld [smem:$0x3FDB];
	s0 =	simm.s32 @p2 $0x1  }
0x17: {  	s4 =	simm.s32 $0x1BF5;
	[smem:$0x3FBB] =	sst s0  }
0x18: {  	s0 =	sld [smem:$0x3F9E];
	_ =	swait.ge [sflag:s4], $0x0  }
0x19: {  	s7 =	sld [smem:$0x3F9F]  }
0x1a: {  	s8 =	sadd.s32 $0xFFFFE003, lr  }
0x1b: {  	s9 =	sadd.s32 $0xFFFFFEF7, lr;
	s5 =	simm.s32 $0xFFFFFFFF;
	p2 =	slt.u32 s8, $0xFFFFF086  }
0x1c: {  	p1 =	slt.u32 s9, $0xF7A;
	s5 =	simm.s32 @!p2 $0x0  }
0x1d: {  	s5 =	simm.s32 @p1 $0x1;
	p0 =	seq.s32 s7, s2  }
0x1e: {  	s7 =	smul.u32 @!p0 $0xF7A, s2;
	p2 =	seq.s32 @!p0 s5, $0x0  }
0x1f: {  	s9 =	smul.u32 $0xF7A, s1;
	s8 =	simm.s32 @!p0 $0x1BF5;
	p2 =	por !p2, p0  }
0x20: {  	[sflag:s8] =	ssyncset.s32 @!p0 $0xFFFFF086;
	s6 =	sadd.s32 @!p0 s3, s7;
	s7 =	simm.s32 @!p0 $0x108  }
0x21: {  	s3 =	sadd.s32 s3, s9;
	s6 =	sadd.s32 @!p0 $0x88, s6;
	s7 =	simm.s32 @p2 $0x1082  }
0x22: {  	[simem:s7], [sflag:s8] =	dma.local @!p0 [hbm:s6], $0xF7A  }
0x23: {  	s9 =	sor.u32 $0xD0000000, s2;
	s6 =	simm.s32 $0x108;
	_ =	swait.ge @!p0 [sflag:s8], $0x0  }
0x24: {  	s3 =	sadd.s32 $0x88, s3;
	s6 =	simm.s32 @!p1 $0x1082;
	[sflag:s4] =	ssyncset.s32 $0xFFFFF086  }
0x25: {  	[simem:s6], [sflag:s4] =	dma.local [hbm:s3], $0xF7A  }
0x26: {  	[smem:$0x3F9F] =	sst s1;
	(tag) =	ssettag s2;
	_ =	strace s9  }
0x27: {  	s1 =	sld [smem:$0x3FAF]  }
0x28: {  	s2 =	sld [smem:$0x3FB0]  }
0x29: {  	s4 =	sld [smem:$0x3FB2]  }
0x2a: {  	p0 =	seq.s32 s5, $0x0;
	s5 =	sld [smem:$0x3FB3]  }
0x2b: {  	s6 =	sld [smem:$0x3FB4]  }
0x2c: {  	s7 =	sld [smem:$0x3FB5]  }
0x2d: {  	s3 =	simm.s32 $0x108;
	s8 =	sld [smem:$0x3FB6]  }
0x2e: {  	s3 =	simm.s32 @!p0 $0x1082;
	s9 =	sld [smem:$0x3FB7]  }
0x2f: {  	lr =	sadd.s32 s0, s3;
	s0 =	sld [smem:$0x3FAE]  }
0x30: {  	s3 =	sld [smem:$0x3FB1]  }
0x31: {  	[smem:$0x3FBA] =	sst s10  }
0x32: {  	s10 =	sld [smem:$0x3FB8];
	_ =	sdelay $0x3  }
0x33: {  	p0 =	seq.s32 s10, $0x1;
	s10 =	sld [smem:$0x3FBA];
	_ =	sdelay $0x3  }
0x34: {  	[smem:$0x3FBA] =	sst s10  }
0x35: {  	s10 =	sld [smem:$0x3FB9];
	_ =	sdelay $0x3  }
0x36: {  	p1 =	seq.s32 s10, $0x1;
	s10 =	sld [smem:$0x3FBA];
	_ =	sdelay $0x3  }
0x37: {  	[smem:$0x3FBA] =	sst s10  }
0x38: {  	s10 =	sld [smem:$0x3FBB]  }
0x39: {  	_ = 	snop;
	(pc) =	sbr.ind lr, $3  }
0x3a: {  	_ = 	snop  }
0x3b: {  	_ = 	snop  }
0x3c: {  	p2 =	seq.s32 s10, $0x1;
	s10 =	sld [smem:$0x3FBA]  }
0x3d: {  	_ =	shalt  }
0x3e: {  	_ =	shalt  }
0x3f: {  	_ =	shalt  }
0x40: {  	_ =	shalt  }
0x41: {  	_ =	shalt  }
0x42: {  	_ =	shalt  }
0x43: {  	_ =	shalt  }
0x44: {  	_ =	shalt  }
0x45: {  	_ =	shalt  }
0x46: {  	_ =	shalt  }
0x47: {  	_ =	shalt  }
0x48: {  	_ =	shalt  }
0x49: {  	_ =	shalt  }
0x4a: {  	_ =	shalt  }
0x4b: {  	_ =	shalt  }
0x4c: {  	_ =	shalt  }
0x4d: {  	_ =	shalt  }
0x4e: {  	_ =	shalt  }
0x4f: {  	_ =	shalt  }
0x50: {  	_ =	shalt  }
0x51: {  	_ =	shalt  }
0x52: {  	_ =	shalt  }
0x53: {  	_ =	shalt  }
0x54: {  	_ =	shalt  }
0x55: {  	_ =	shalt  }
0x56: {  	_ =	shalt  }
0x57: {  	_ =	shalt  }
0x58: {  	_ =	shalt  }
0x59: {  	_ =	shalt  }
0x5a: {  	_ =	shalt  }
0x5b: {  	_ =	shalt  }
0x5c: {  	_ =	shalt  }
0x5d: {  	_ =	shalt  }
0x5e: {  	_ =	shalt  }
0x5f: {  	_ =	shalt  }
0x60: {  	_ =	shalt  }
0x61: {  	_ =	shalt  }
0x62: {  	_ =	shalt  }
0x63: {  	_ =	shalt  }
0x64: {  	_ =	shalt  }
0x65: {  	_ =	shalt  }
0x66: {  	_ =	shalt  }
0x67: {  	_ =	shalt  }
0x68: {  	_ =	shalt  }
0x69: {  	_ =	shalt  }
0x6a: {  	_ =	shalt  }
0x6b: {  	_ =	shalt  }
0x6c: {  	_ =	shalt  }
0x6d: {  	_ =	shalt  }
0x6e: {  	_ =	shalt  }
0x6f: {  	_ =	shalt  }
0x70: {  	_ =	shalt  }
0x71: {  	_ =	shalt  }
0x72: {  	_ =	shalt  }
0x73: {  	_ =	shalt  }
0x74: {  	_ =	shalt  }
0x75: {  	_ =	shalt  }
0x76: {  	_ =	shalt  }
0x77: {  	_ =	shalt  }
0x78: {  	_ =	shalt  }
0x79: {  	_ =	shalt  }
0x7a: {  	_ =	shalt  }
0x7b: {  	_ =	shalt  }
0x7c: {  	_ =	shalt  }
0x7d: {  	_ =	shalt  }
0x7e: {  	_ =	shalt  }
0x7f: {  	_ =	shalt  }
0x80: {  	_ =	shalt  }
0x81: {  	_ =	shalt  }
0x82: {  	_ =	shalt  }
0x83: {  	_ =	shalt  }
0x84: {  	_ =	shalt  }
0x85: {  	_ =	shalt  }
0x86: {  	_ =	shalt  }
0x87: {  	_ =	shalt  }
.Lfunc_end0:
.L_simem_size_0:
called_computation_lowered:
.L_overlay_start_0:
0x88: {  	s2 =	sld [smem:$0x3FD9]  }
0x89: {  	s3 =	sld [smem:$0x3FFE];
	_ =	sdelay $0x1  }
0x8a: {  	s1 =	srdreg.scid  }
0x8b: {  	s0 =	sand.u32 $0x1, s1  }
0x8c: {  	s18 =	sshll.u32 s0, $0xA;
	s2 =	sadd.s32 s3, s2  }
0x8d: {  	s2 =	sadd.s32 s2, s18  }
0x8e: {  	[smem:$0x3FC6] =	sst s2  }
0x8f: {  	_ = 	snop  }
0x90: {  	s2 =	sld [smem:$0x3FC9]  }
0x91: {  	s19 =	sld [smem:$0x3FC8]  }
0x92: {  	s4 =	sld [smem:$0x3FD0];
	(tm) =	ssettm $0x1  }
0x93: {  	s5 =	sld [smem:$0x3FFB];
	_ =	sdelay $0x3  }
0x94: {  	_ =	strace s5  }
0x95: {  	s5 =	sld [smem:$0x3FFC];
	_ =	sdelay $0x3  }
0x96: {  	_ =	strace s5  }
0x97: {  	s5 =	sld [smem:$0x3FFD];
	_ =	sdelay $0x3  }
0x98: {  	_ =	strace s5  }
0x99: {  	_ =	strace $0x8FFFFFFF  }
0x9a: {  	s20 =	sld [smem:$0x3FDB];
	_ =	sdelay $0x1  }
0x9b: {  	s6 =	simm.s32 $_scs_section_size  }
0x9c: {  	s7 =	simm.s32 $_size__tile_overlayer_lowered;
	s8 =	simm.s32 $_tile_overlayer_lowered  }
0x9d: {  	s23 =	simm.s32 $0x1BFF;
	s22 =	sshll.u32 s8, $0x1;
	s5 =	sadd.s32 s6, s20  }
0x9e: {  	s9 =	simm.s32 $0x0;
	s21 =	sshll.u32 s7, $0x1;
	s7 =	sadd.s32 s22, s5  }
0x9f: {  	[timem:s9], [sflag:s23] =	dma.local [hbm:s7], s21  }
0xa0: {  	_ =	swait.ge [sflag:s23], s21  }
0xa1: {  	s6 =	ssub.s32 $0x0, s21;
	[sflag:s23] =	ssyncset.done $0x0  }
0xa2: {  	[sflag:s23] =	ssyncadd.s32 s6;
	_ =	sdelay $0x1  }
0xa3: {  	s24 =	simm.s32 $0x1B8B  }
0xa4: {  	_ =	swait.ge [sflag:s24], $0x1  }
0xa5: {  	[sflag:s24] =	ssyncset.done $0x0  }
0xa6: {  	s25 =	simm.s32 $0x1B8E;
	[sflag:s24] =	ssyncadd.s32 $0xFFFFFFFF  }
0xa7: {  	s26 =	simm.s32 $execute0_lowered;
	[smem:$0x3FD2] =	sst s25  }
0xa8: {  	s6 =	sshll.u32 s26, $0x1;
	_ =	strace $0x80000046;
	[dreg:$0x1] =	wrdreg $0xFFFFFFFF  }
0xa9: {  	s28 =	simm.s32 $_size_execute0_lowered;
	s5 =	sadd.s32 s5, s6;
	[dreg:$0x0] =	wrdreg $0x0  }
0xaa: {  	s6 =	sshll.u32 s28, $0x1;
	[dreg:$0x2] =	wrdreg s5  }
0xab: {  	[dreg:$0x3] =	wrdreg s6  }
0xac: {  	[dreg:$0x4] =	wrdreg $0xC0  }
0xad: {  	_ =	task [dreg:s9], $0x5FFFF  }
0xae: {  	[dreg:$0x1] =	wrdreg $0xFFFFFFFF  }
0xaf: {  	[dreg:$0x0] =	wrdreg $0x60  }
0xb0: {  	[dreg:$0x2] =	wrdreg s2  }
0xb1: {  	[dreg:$0x3] =	wrdreg s19  }
0xb2: {  	[dreg:$0x4] =	wrdreg s4  }
0xb3: {  	[dreg:$0x5] =	wrdreg $0x183000  }
0xb4: {  	[dreg:$0x6] =	wrdreg $0x9  }
0xb5: {  	_ =	task.clear_ibuf [dreg:s9], $0x7FFFF;
	_ =	strace $0x90000046  }
0xb6: {  	s29 =	simm.s32 $0x9;
	_ =	strace $0x80000048  }
0xb7: {  	_ =	swait.ge [sflag:s29], $0x1  }
0xb8: {  	[sflag:s29] =	ssyncadd.s32 $0xFFFFFFFF  }
0xb9: {  	_ =	strace $0x90000048  }
0xba: {  	_ =	sfence  }
0xbb: {  	s30 =	sld [smem:$0x0];
	_ =	sdelay $0x2  }
0xbc: {  	s31 =	sshll.u32 s1, $0xD;
	s1 =	sshrl.u32 s1, $0x2  }
0xbd: {  	s3 =	sand.u32 $0x4000, s31;
	s1 =	sadd.s32 s1, s30  }
0xbe: {  	s0 =	sor.u32 s3, s0;
	s1 =	sshll.u32 s1, $0x11  }
0xbf: {  	s0 =	sor.u32 s1, s0  }
0xc0: {  	s0 =	sadd.s32 $0x8F2B, s0  }
0xc1: {  	[sflag:s0] =	ssyncadd.remote.s32 $0x1  }
0xc2: {  	_ =	sfence.sel $0xFFFF  }
0xc3: {  	[dreg:$0x0] =	wrdreg $0xFFFFFFFF;
	(pc) =	sbr.abs _section_cstart, $3  }
0xc4: {  	[dreg:$0x1] =	wrdreg $0xFFFFFFFF  }
0xc5: {  	_ =	task.clear_ibuf [dreg:s9], $0x2FFFF;
	_ =	strace $0x9FFFFFFF  }
0xc6: {  	(tm) =	ssettm $0x7FFFFFFF  }
0xc7: {  	_ =	shalt  }
tec
execute0_lowered:
.L_overlay_start_1:
0x0: {  	(tag) =	ssettag $0x1  }
0x1: {  	s0 =	rddreg [dreg:$0x0]  }
0x2: {  	s1 =	rddreg [dreg:$0x2];
	s5 =	stileid.u32  }
0x3: {  	s2 =	srdreg.scid;
	s15 =	smul.u32 $0x640, s5  }
0x4: {  	s3 =	rddreg [dreg:$0x3];
	s18 =	smul.u32 $0x32000, s5  }
0x5: {  	s4 =	simm.s32 $0x0;
	s2 =	sand.u32 $0x1, s2;
	s21 =	smul.u32 $0x6400, s5  }
0x6: {  	s28 =	simm.s32 $0x200;
	s29 =	simm.s32 $0x1;
	s16 =	smul.u32 $0x320, s2  }
0x7: {  	s30 =	simm.s32 $0x9;
	s6 =	sshll.u32 s5, $0x1;
	s20 =	smul.u32 $0x19000, s2  }
0x8: {  	s6 =	sor.u32 s2, s6;
	s7 =	ssub.s32 $0x2, s2;
	s2 =	smul.u32 $0x3200, s2  }
0x9: {  	s31 =	simm.s32 $0x10300;
	s12 =	simm.s32 $0x6;
	s8 =	smul.u32 $0x3200, s6  }
0xa: {  	[smem:$0x7FF] =	sst s4;
	p0 =	sne.s32 s5, $0x0;
	s10 =	smul.u32 $0x190000, s6  }
0xb: {  	_ =	strace $0x80000047;
	s9 =	sshrl.u32 s7, $0x1;
	s6 =	smul.u32 $0xC80000, s6  }
0xc: {  	s7 =	ssub.s32 s7, s9;
	s23 =	sadd.s32 s20, s18;
	s26 =	sadd.s32 s2, s21  }
0xd: {  	s20 =	simm.s32 $0x300;
	s11 =	sadd.s32 s0, s8;
	[dreg:$0x6] =	wrdreg s26  }
0xe: {  	s2 =	simm.s32 $0x180;
	s10 =	sadd.s32 s1, s10;
	[dreg:$0x7] =	wrdreg s11  }
0xf: {  	s9 =	simm.s32 $0x7;
	s7 =	smax.u32 s7, $0x1;
	[dreg:$0xa] =	wrdreg s10  }
0x10: {  	s6 =	sshrl.u32 s6, $0x3;
	s25 =	sor.u32 $0x400, s23;
	[dreg:$0xf] =	wrdreg s7  }
0x11: {  	s23 =	simm.s32 $0x8;
	s8 =	sadd.s32 $0x20, s11;
	[dreg:$0x5] =	wrdreg s25  }
0x12: {  	s26 =	simm.s32 $0x4300;
	s14 =	sadd.s32 $0x40, s11;
	[dreg:$0x8] =	wrdreg s8  }
0x13: {  	s11 =	sadd.s32 $0x60, s11;
	s10 =	sadd.s32 $0x1000, s10;
	[dreg:$0x9] =	wrdreg s14  }
0x14: {  	s6 =	sadd.s32 s1, s6;
	s7 =	simm.s32 $0x4;
	[dreg:$0xb] =	wrdreg s11  }
0x15: {  	[dreg:$0xc] =	wrdreg s10;
	s17 =	sadd.s32 $0x18E000, s6;
	s8 =	sadd.s32 s16, s15  }
0x16: {  	s6 =	sadd.s32 $0x18F000, s6;
	s10 =	simm.s32 $0x3;
	s19 =	sshll.u32 s8, $0xB  }
0x17: {  	s11 =	simm.s32 $0x5;
	[dreg:$0xd] =	wrdreg s17;
	s1 =	sadd.s32 s19, s1  }
0x18: {  	[dreg:$0xe] =	wrdreg s6;
	s6 =	simm.s32 $0x2;
	s22 =	sadd.s32 $0x3000, s1  }
0x19: {  	s8 =	simm.s32 $0x0;
	s24 =	sadd.s32 $0x2000, s1;
	[dreg:$0x10] =	wrdreg s22  }
0x1a: {  	s19 =	simm.s32 $0x80;
	s1 =	sadd.s32 $0x4000, s1;
	[dreg:$0x11] =	wrdreg s24  }
0x1b: {  	[dreg:$0x12] =	wrdreg s1;
	s1 =	sshrl.u32 @!p0 s3, $0x3;
	s22 =	simm.s32 $0x100  }
0x1c: {  	s24 =	simm.s32 $0x8300;
	[dreg:$0x13] =	wrdreg s1;
	s1 =	simm.s32 $0xC300  }
.LBB2_1:
0x1d: {  	[dreg:$0x14] =	wrdreg s8  }
0x1e: {  	s8 =	rddreg [dreg:$0x1]  }
0x1f: {  	s5 =	simm.s32 @!p0 $0x1C0A;
	s13 =	rddreg [dreg:$0x13]  }
0x20: {  	[spmem:s13], [sflag:s5] =	dma.local @!p0 [hbm:s8], $0x4000  }
0x21: {  	s5 =	simm.s32 @!p0 $0xA  }
0x22: {  	_ =	swait.ge @!p0 [sflag:s5], $0x4000  }
0x23: {  	[sflag:s5] =	ssyncset.done @!p0 $0x0  }
0x24: {  	[sflag:s5] =	ssyncadd.s32 @!p0 $0xFFFFC000  }
0x25: {  	[bflag:$0x0] =	sbarrier.arrive $0xFFFF  }
0x26: {  	s15 =	simm.s32 $0xA;
	s14 =	rddreg [dreg:$0x7]  }
0x27: {  	[tilespmem:s4], [sflag:$0xA] =	stream.linear.gather [hbm4b:s14+s4], $0x100, $0x38;
	[tilespmem:$0x1A300] =	vst v63  }
0x28: {  	_ =	swait.ge [sflag:s15], $0x100  }
0x29: {  	[sflag:s15] =	ssyncset.done $0x0  }
0x2a: {  	[sflag:s15] =	ssyncadd.s32 $0xFFFFFF00  }
0x2b: {  	[tilespmem:s20], [sflag:$0x1] =	stream.indirect.gather [spmem:s3], $0x80, s4, s19, $0xb8;
	[tilespmem:$0x1A300] =	vst v63  }
0x2c: {  	s13 =	simm.s32 $0x4300  }
0x2d: {  	[tilespmem:s13], [sflag:$0x1] =	stream.indirect.gather [spmem:s3], $0x80, s19, s19, $0xb8;
	[tilespmem:$0x1A300] =	vst v63  }
0x2e: {  	s16 =	rddreg [dreg:$0x8]  }
0x2f: {  	[tilespmem:s22], [sflag:$0x8] =	stream.linear.gather [hbm4b:s16+s4], $0x100, $0x38;
	[tilespmem:$0x1A300] =	vst v63  }
0x30: {  	_ =	swait.ge [sflag:s23], $0x100  }
0x31: {  	[sflag:s23] =	ssyncset.done $0x0  }
0x32: {  	[sflag:s23] =	ssyncadd.s32 $0xFFFFFF00  }
0x33: {  	[tilespmem:s24], [sflag:$0x2] =	stream.indirect.gather [spmem:s3], $0x80, s22, s19, $0xb8;
	[tilespmem:$0x1A300] =	vst v63  }
0x34: {  	_ = 	snop  }
0x35: {  	[tilespmem:s1], [sflag:$0x2] =	stream.indirect.gather [spmem:s3], $0x80, s2, s19, $0xb8;
	[tilespmem:$0x1A300] =	vst v63  }
0x36: {  	s17 =	rddreg [dreg:$0x9]  }
0x37: {  	[tilespmem:s28], [sflag:$0x9] =	stream.linear.gather [hbm4b:s17+s4], $0x100, $0x38;
	[tilespmem:$0x1A300] =	vst v63  }
0x38: {  	_ =	swait.ge [sflag:s29], $0x4000  }
0x39: {  	[sflag:s29] =	ssyncset.done $0x0  }
0x3a: {  	[sflag:s29] =	ssyncadd.s32 $0xFFFFC000  }
0x3b: {  	_ =	swait.ge [sflag:s29], $0x4000  }
0x3c: {  	[sflag:s29] =	ssyncset.done $0x0  }
0x3d: {  	s18 =	rddreg [dreg:$0xa];
	[sflag:s29] =	ssyncadd.s32 $0xFFFFC000  }
0x3e: {  	[hbm4b:s18+s4] =	stream.linear.scatter [tilespmem:s20], [sflag:$0x4], $0x8000, $0x38;
	[tilespmem:$0x1A300] =	vst v63  }
0x3f: {  	_ =	swait.ge [sflag:s30], $0x100  }
0x40: {  	[sflag:s30] =	ssyncset.done $0x0  }
0x41: {  	[sflag:s30] =	ssyncadd.s32 $0xFFFFFF00  }
0x42: {  	[tilespmem:s31], [sflag:$0x3] =	stream.indirect.gather [spmem:s3], $0x80, s28, s19, $0xb8;
	[tilespmem:$0x1A300] =	vst v63  }
0x43: {  	s21 =	simm.s32 $0x280;
	s25 =	simm.s32 $0x14300  }
0x44: {  	[tilespmem:s25], [sflag:$0x3] =	stream.indirect.gather [spmem:s3], $0x80, s21, s19, $0xb8;
	[tilespmem:$0x1A300] =	vst v63  }
0x45: {  	s8 =	rddreg [dreg:$0xb]  }
0x46: {  	[tilespmem:s4], [sflag:$0x7] =	stream.linear.gather [hbm4b:s8+s4], $0x100, $0x38;
	[tilespmem:$0x1A300] =	vst v63  }
0x47: {  	_ =	swait.ge [sflag:s6], $0x4000  }
0x48: {  	[sflag:s6] =	ssyncset.done $0x0  }
0x49: {  	[sflag:s6] =	ssyncadd.s32 $0xFFFFC000  }
0x4a: {  	_ =	swait.ge [sflag:s6], $0x4000  }
0x4b: {  	[sflag:s6] =	ssyncset.done $0x0  }
0x4c: {  	s14 =	rddreg [dreg:$0xc];
	[sflag:s6] =	ssyncadd.s32 $0xFFFFC000  }
0x4d: {  	[hbm4b:s14+s4] =	stream.linear.scatter [tilespmem:s24], [sflag:$0x5], $0x8000, $0x38;
	[tilespmem:$0x1A300] =	vst v63  }
0x4e: {  	_ =	swait.ge [sflag:s7], $0x8000  }
0x4f: {  	[sflag:s7] =	ssyncset.done $0x0  }
0x50: {  	[sflag:s7] =	ssyncadd.s32 $0xFFFF8000  }
0x51: {  	_ =	swait.ge [sflag:s9], $0x100  }
0x52: {  	[sflag:s9] =	ssyncset.done $0x0;
	s15 =	rddreg [dreg:$0x5]  }
0x53: {  	[sflag:s9] =	ssyncadd.s32 $0xFFFFFF00;
	s5 =	sadd.s32 $0x0, s15  }
0x54: {  	[tilespmem:s20], [sflag:$0x1] =	stream.indirect.gather [spmem:s3], $0x80, s4, s19, $0xb8;
	[tilespmem:$0x1A300] =	vst v63  }
0x55: {  	s16 =	sand.u32 $0x300, s4;
	s5 =	sand.u32 $0x7FFFFC00, s5  }
0x56: {  	s5 =	sor.u32 s16, s5  }
0x57: {  	s5 =	sshrl.u32 s5, $0x3  }
0x58: {  	[tilespmem:s13], [sflag:$0x1] =	stream.indirect.gather [spmem:s3], $0x80, s19, s19, $0xb8;
	[tilespmem:$0x1A300] =	vst v63  }
0x59: {  	s5 =	sadd.s32 s0, s5  }
0x5a: {  	[tilespmem:s22], [sflag:$0x8] =	stream.linear.gather [hbm4b:s5+s4], $0x100, $0x38;
	[tilespmem:$0x1A300] =	vst v63  }
0x5b: {  	_ =	swait.ge [sflag:s10], $0x4000  }
0x5c: {  	[sflag:s10] =	ssyncset.done $0x0  }
0x5d: {  	[sflag:s10] =	ssyncadd.s32 $0xFFFFC000  }
0x5e: {  	_ =	swait.ge [sflag:s10], $0x4000  }
0x5f: {  	[sflag:s10] =	ssyncset.done $0x0  }
0x60: {  	s15 =	rddreg [dreg:$0x11];
	[sflag:s10] =	ssyncadd.s32 $0xFFFFC000  }
0x61: {  	[hbm4b:s15+s4] =	stream.linear.scatter [tilespmem:s31], [sflag:$0x6], $0x8000, $0x38;
	[tilespmem:$0x1A300] =	vst v63  }
0x62: {  	_ =	swait.ge [sflag:s11], $0x8000  }
0x63: {  	[sflag:s11] =	ssyncset.done $0x0  }
0x64: {  	[sflag:s11] =	ssyncadd.s32 $0xFFFF8000  }
0x65: {  	_ =	swait.ge [sflag:s23], $0x100  }
0x66: {  	s17 =	rddreg [dreg:$0x6]  }
0x67: {  	s18 =	simm.s32 $0xA0;
	[sflag:s23] =	ssyncset.done $0x0;
	s5 =	sadd.s32 $0xC0, s17  }
0x68: {  	s8 =	sand.u32 $0x60, s18;
	[sflag:s23] =	ssyncadd.s32 $0xFFFFFF00;
	s21 =	sadd.s32 $0xFFFFFFE0, s5  }
0x69: {  	[tilespmem:s24], [sflag:$0x2] =	stream.indirect.gather [spmem:s3], $0x80, s22, s19, $0xb8;
	[tilespmem:$0x1A300] =	vst v63  }
0x6a: {  	s8 =	sadd.s32 s0, s8;
	s13 =	sand.u32 $0xFFFFF80, s21  }
0x6b: {  	[tilespmem:s1], [sflag:$0x2] =	stream.indirect.gather [spmem:s3], $0x80, s2, s19, $0xb8;
	[tilespmem:$0x1A300] =	vst v63  }
0x6c: {  	s8 =	sadd.s32 s13, s8  }
0x6d: {  	[tilespmem:s28], [sflag:$0x9] =	stream.linear.gather [hbm4b:s8+s4], $0x100, $0x38;
	[tilespmem:$0x1A300] =	vst v63  }
0x6e: {  	_ =	swait.ge [sflag:s29], $0x4000  }
0x6f: {  	[sflag:s29] =	ssyncset.done $0x0  }
0x70: {  	[sflag:s29] =	ssyncadd.s32 $0xFFFFC000  }
0x71: {  	_ =	swait.ge [sflag:s29], $0x4000  }
0x72: {  	[sflag:s29] =	ssyncset.done $0x0  }
0x73: {  	s14 =	rddreg [dreg:$0x10];
	[sflag:s29] =	ssyncadd.s32 $0xFFFFC000  }
0x74: {  	[hbm4b:s14+s4] =	stream.linear.scatter [tilespmem:s20], [sflag:$0x4], $0x8000, $0x38;
	[tilespmem:$0x1A300] =	vst v63  }
0x75: {  	_ =	swait.ge [sflag:s12], $0x8000  }
0x76: {  	s25 =	simm.s32 $0xC0;
	[sflag:s12] =	ssyncset.done $0x0  }
0x77: {  	s18 =	sadd.s32 $0x3000, s15;
	s15 =	simm.s32 $0x0;
	[sflag:s12] =	ssyncadd.s32 $0xFFFF8000  }
0x78: {  	s17 =	simm.s32 $0x120;
	s2 =	simm.s32 $0x180;
	_ =	swait.ge [sflag:s30], $0x100  }
0x79: {  	s1 =	simm.s32 $0xC300;
	s13 =	sand.u32 $0x60, s25;
	s16 =	rddreg [dreg:$0x12]  }
0x7a: {  	s8 =	sand.u32 $0xFFFFF80, s5;
	[sflag:s30] =	ssyncset.done $0x0;
	s5 =	sadd.s32 $0x3000, s16  }
.LBB2_2:
0x7b: {  	[sflag:s30] =	ssyncadd.s32 $0xFFFFFF00;
	s21 =	sadd.s32 s0, s13  }
0x7c: {  	[tilespmem:s31], [sflag:$0x3] =	stream.indirect.gather [spmem:s3], $0x80, s28, s19, $0xb8;
	[tilespmem:$0x1A300] =	vst v63  }
0x7d: {  	s25 =	simm.s32 $0x14300;
	s8 =	sadd.s32 s8, s21;
	s21 =	simm.s32 $0x280  }
0x7e: {  	[tilespmem:s25], [sflag:$0x3] =	stream.indirect.gather [spmem:s3], $0x80, s21, s19, $0xb8;
	[tilespmem:$0x1A300] =	vst v63  }
0x7f: {  	_ = 	snop  }
0x80: {  	[tilespmem:s4], [sflag:$0x7] =	stream.linear.gather [hbm4b:s8+s4], $0x100, $0x38;
	[tilespmem:$0x1A300] =	vst v63  }
0x81: {  	_ =	swait.ge [sflag:s6], $0x4000  }
0x82: {  	[sflag:s6] =	ssyncset.done $0x0  }
0x83: {  	[sflag:s6] =	ssyncadd.s32 $0xFFFFC000  }
0x84: {  	_ =	swait.ge [sflag:s6], $0x4000  }
0x85: {  	[sflag:s6] =	ssyncset.done $0x0  }
0x86: {  	[sflag:s6] =	ssyncadd.s32 $0xFFFFC000  }
0x87: {  	[hbm4b:s16+s4] =	stream.linear.scatter [tilespmem:s24], [sflag:$0x5], $0x8000, $0x38;
	[tilespmem:$0x1A300] =	vst v63  }
0x88: {  	_ =	swait.ge [sflag:s7], $0x8000  }
0x89: {  	[sflag:s7] =	ssyncset.done $0x0  }
0x8a: {  	[sflag:s7] =	ssyncadd.s32 $0xFFFF8000  }
0x8b: {  	_ =	swait.ge [sflag:s9], $0x100  }
0x8c: {  	s15 =	sadd.s32 $0x300, s15;
	[sflag:s9] =	ssyncset.done $0x0;
	s25 =	rddreg [dreg:$0x5]  }
0x8d: {  	[sflag:s9] =	ssyncadd.s32 $0xFFFFFF00;
	s21 =	sadd.s32 s15, s25  }
0x8e: {  	[tilespmem:s20], [sflag:$0x1] =	stream.indirect.gather [spmem:s3], $0x80, s4, s19, $0xb8;
	[tilespmem:$0x1A300] =	vst v63  }
0x8f: {  	s8 =	sand.u32 $0x300, s15;
	s21 =	sand.u32 $0x7FFFFC00, s21  }
0x90: {  	s8 =	sor.u32 s8, s21  }
0x91: {  	s8 =	sshrl.u32 s8, $0x3  }
0x92: {  	[tilespmem:s26], [sflag:$0x1] =	stream.indirect.gather [spmem:s3], $0x80, s19, s19, $0xb8;
	[tilespmem:$0x1A300] =	vst v63  }
0x93: {  	s8 =	sadd.s32 s0, s8  }
0x94: {  	[tilespmem:s22], [sflag:$0x8] =	stream.linear.gather [hbm4b:s8+s4], $0x100, $0x38;
	[tilespmem:$0x1A300] =	vst v63  }
0x95: {  	_ =	swait.ge [sflag:s10], $0x4000  }
0x96: {  	[sflag:s10] =	ssyncset.done $0x0  }
0x97: {  	[sflag:s10] =	ssyncadd.s32 $0xFFFFC000  }
0x98: {  	_ =	swait.ge [sflag:s10], $0x4000  }
0x99: {  	[sflag:s10] =	ssyncset.done $0x0  }
0x9a: {  	[sflag:s10] =	ssyncadd.s32 $0xFFFFC000  }
0x9b: {  	[hbm4b:s18+s4] =	stream.linear.scatter [tilespmem:s31], [sflag:$0x6], $0x8000, $0x38;
	[tilespmem:$0x1A300] =	vst v63  }
0x9c: {  	_ =	swait.ge [sflag:s11], $0x8000  }
0x9d: {  	[sflag:s11] =	ssyncset.done $0x0  }
0x9e: {  	s13 =	smov.u32 s17;
	[sflag:s11] =	ssyncadd.s32 $0xFFFF8000  }
0x9f: {  	s25 =	sadd.s32 $0xFFFFFFE0, s13;
	_ =	swait.ge [sflag:s23], $0x100  }
0xa0: {  	s8 =	sand.u32 $0x60, s25;
	s21 =	rddreg [dreg:$0x6]  }
0xa1: {  	s25 =	sadd.s32 s0, s8;
	[sflag:s23] =	ssyncset.done $0x0;
	s8 =	sadd.s32 s13, s21  }
0xa2: {  	[sflag:s23] =	ssyncadd.s32 $0xFFFFFF00;
	s21 =	sadd.s32 $0xFFFFFFE0, s8  }
0xa3: {  	[tilespmem:s24], [sflag:$0x2] =	stream.indirect.gather [spmem:s3], $0x80, s22, s19, $0xb8;
	[tilespmem:$0x1A300] =	vst v63  }
0xa4: {  	s21 =	sand.u32 $0xFFFFF80, s21  }
0xa5: {  	[tilespmem:s1], [sflag:$0x2] =	stream.indirect.gather [spmem:s3], $0x80, s2, s19, $0xb8;
	[tilespmem:$0x1A300] =	vst v63  }
0xa6: {  	s21 =	sadd.s32 s21, s25  }
0xa7: {  	[tilespmem:s28], [sflag:$0x9] =	stream.linear.gather [hbm4b:s21+s4], $0x100, $0x38;
	[tilespmem:$0x1A300] =	vst v63  }
0xa8: {  	_ =	swait.ge [sflag:s29], $0x4000  }
0xa9: {  	[sflag:s29] =	ssyncset.done $0x0  }
0xaa: {  	[sflag:s29] =	ssyncadd.s32 $0xFFFFC000  }
0xab: {  	_ =	swait.ge [sflag:s29], $0x4000  }
0xac: {  	[sflag:s29] =	ssyncset.done $0x0  }
0xad: {  	p1 =	sne.s32 s17, $0x31E0;
	s14 =	sadd.s32 $0x3000, s14;
	[sflag:s29] =	ssyncadd.s32 $0xFFFFC000  }
0xae: {  	[hbm4b:s14+s4] =	stream.linear.scatter [tilespmem:s20], [sflag:$0x4], $0x8000, $0x38;
	[tilespmem:$0x1A300] =	vst v63  }
.Ltmp0:
0xaf: {  	_ =	swait.ge [sflag:s12], $0x8000;
	(pc) =	sbr.rel @p1 .LBB2_2-.Ltmp0, $4  }
0xb0: {  	[sflag:s12] =	ssyncset.done $0x0  }
0xb1: {  	s17 =	sadd.s32 $0x60, s17;
	s16 =	smov.u32 s5;
	[sflag:s12] =	ssyncadd.s32 $0xFFFF8000  }
0xb2: {  	s5 =	sadd.s32 $0x3000, s5;
	s18 =	sadd.s32 $0x3000, s18;
	_ =	swait.ge [sflag:s30], $0x100  }
0xb3: {  	s13 =	sand.u32 $0x60, s13;
	s8 =	sand.u32 $0xFFFFF80, s8;
	[sflag:s30] =	ssyncset.done $0x0  }
0xb4: {  	[sflag:s30] =	ssyncadd.s32 $0xFFFFFF00  }
0xb5: {  	[tilespmem:s31], [sflag:$0x3] =	stream.indirect.gather [spmem:s3], $0x80, s28, s19, $0xb8;
	[tilespmem:$0x1A300] =	vst v63  }
0xb6: {  	s5 =	sadd.s32 s0, s13;
	s1 =	simm.s32 $0x280;
	s2 =	simm.s32 $0x14300  }
0xb7: {  	[tilespmem:s2], [sflag:$0x3] =	stream.indirect.gather [spmem:s3], $0x80, s1, s19, $0xb8;
	[tilespmem:$0x1A300] =	vst v63  }
0xb8: {  	s5 =	sadd.s32 s8, s5  }
0xb9: {  	[tilespmem:s4], [sflag:$0x7] =	stream.linear.gather [hbm4b:s5+s4], $0x100, $0x38;
	[tilespmem:$0x1A300] =	vst v63  }
0xba: {  	_ =	swait.ge [sflag:s6], $0x4000  }
0xbb: {  	[sflag:s6] =	ssyncset.done $0x0  }
0xbc: {  	[sflag:s6] =	ssyncadd.s32 $0xFFFFC000  }
0xbd: {  	_ =	swait.ge [sflag:s6], $0x4000  }
0xbe: {  	[sflag:s6] =	ssyncset.done $0x0  }
0xbf: {  	[sflag:s6] =	ssyncadd.s32 $0xFFFFC000  }
0xc0: {  	[hbm4b:s16+s4] =	stream.linear.scatter [tilespmem:s24], [sflag:$0x5], $0x8000, $0x38;
	[tilespmem:$0x1A300] =	vst v63  }
0xc1: {  	_ =	swait.ge [sflag:s7], $0x8000  }
0xc2: {  	[sflag:s7] =	ssyncset.done $0x0  }
0xc3: {  	[sflag:s7] =	ssyncadd.s32 $0xFFFF8000  }
0xc4: {  	_ =	swait.ge [sflag:s9], $0x100  }
0xc5: {  	[sflag:s9] =	ssyncset.done $0x0  }
0xc6: {  	[sflag:s9] =	ssyncadd.s32 $0xFFFFFF00  }
0xc7: {  	[tilespmem:s20], [sflag:$0x1] =	stream.indirect.gather [spmem:s3], $0x80, s4, s19, $0xb8;
	[tilespmem:$0x1A300] =	vst v63  }
0xc8: {  	_ = 	snop  }
0xc9: {  	[tilespmem:s26], [sflag:$0x1] =	stream.indirect.gather [spmem:s3], $0x80, s19, s19, $0xb8;
	[tilespmem:$0x1A300] =	vst v63  }
0xca: {  	_ =	swait.ge [sflag:s10], $0x4000  }
0xcb: {  	[sflag:s10] =	ssyncset.done $0x0  }
0xcc: {  	[sflag:s10] =	ssyncadd.s32 $0xFFFFC000  }
0xcd: {  	_ =	swait.ge [sflag:s10], $0x4000  }
0xce: {  	[sflag:s10] =	ssyncset.done $0x0  }
0xcf: {  	s17 =	rddreg [dreg:$0xd];
	[sflag:s10] =	ssyncadd.s32 $0xFFFFC000  }
0xd0: {  	[hbm4b:s17+s4] =	stream.linear.scatter [tilespmem:s31], [sflag:$0x6], $0x8000, $0x38;
	[tilespmem:$0x1A300] =	vst v63  }
0xd1: {  	_ =	swait.ge [sflag:s29], $0x4000  }
0xd2: {  	[sflag:s29] =	ssyncset.done $0x0  }
0xd3: {  	[sflag:s29] =	ssyncadd.s32 $0xFFFFC000  }
0xd4: {  	_ =	swait.ge [sflag:s29], $0x4000  }
0xd5: {  	[sflag:s29] =	ssyncset.done $0x0  }
0xd6: {  	s18 =	rddreg [dreg:$0xe];
	[sflag:s29] =	ssyncadd.s32 $0xFFFFC000  }
0xd7: {  	[hbm4b:s18+s4] =	stream.linear.scatter [tilespmem:s20], [sflag:$0x4], $0x8000, $0x38;
	[tilespmem:$0x1A300] =	vst v63  }
0xd8: {  	_ =	swait.ge [sflag:s11], $0x8000  }
0xd9: {  	[sflag:s11] =	ssyncset.done $0x0  }
0xda: {  	[sflag:s11] =	ssyncadd.s32 $0xFFFF8000  }
0xdb: {  	_ =	swait.ge [sflag:s12], $0x8000  }
0xdc: {  	[sflag:s12] =	ssyncset.done $0x0  }
0xdd: {  	[sflag:s12] =	ssyncadd.s32 $0xFFFF8000  }
0xde: {  	_ =	swait.ge [sflag:s7], $0x8000  }
0xdf: {  	s21 =	rddreg [dreg:$0x14]  }
0xe0: {  	s25 =	rddreg [dreg:$0xf];
	s8 =	sadd.s32 $0x1, s21  }
0xe1: {  	p1 =	sne.s32 s8, s25  }
.Ltmp1:
0xe2: {  	_ = 	snop;
	(pc) =	sbr.rel @p1 .LBB2_1-.Ltmp1, $3  }
0xe3: {  	_ =	sdelay $0x1  }
0xe4: {  	[sflag:s7] =	ssyncset.done $0x0  }
0xe5: {  	s2 =	simm.s32 $0x180;
	s1 =	simm.s32 $0xC300;
	[sflag:s7] =	ssyncadd.s32 $0xFFFF8000  }
0xe6: {  	_ =	sfence.sel $0x180000  }
0xe7: {  	[bflag:$0x0] =	sbarrier.arrive $0xFFFF  }
0xe8: {  	_ =	strace $0x90000047  }
0xe9: {  	[bflag:$0x2] =	sbarrier.arrive $0xFFFF  }
0xea: {  	s0 =	rddreg [dreg:$0x4]  }
0xeb: {  	s0 =	sadd.s32 @!p0 $0x100000, s0  }
0xec: {  	[sflag:s0] =	ssyncadd.tile.s32 @!p0 $0x1;
	_ =	shalt  }
.Lfunc_end2:
_tile_overlayer_lowered:
.L_overlay_start_2:
0xed: {  	(tag) =	ssettag $0x2  }
0xee: {  	s0 =	rddreg [dreg:$0x0];
	s2 =	stileid.u32  }
0xef: {  	s1 =	rddreg [dreg:$0x1];
	p0 =	sne.s32 s2, $0x0  }
0xf0: {  	s3 =	rddreg [dreg:$0x2];
	[bflag:$0x3] =	sbarrier.arrive $0xFFFF;
	s2 =	simm.s32 @!p0 $0x1C0A  }
0xf1: {  	[timem:s3], [sflag:s2] =	dma.local @!p0 [hbm:s0], s1  }
0xf2: {  	s0 =	simm.s32 @!p0 $0xA  }
0xf3: {  	_ =	swait.ge @!p0 [sflag:s0], s1  }
0xf4: {  	s1 =	ssub.s32 @!p0 $0x0, s1;
	[sflag:s0] =	ssyncset.done @!p0 $0x0  }
0xf5: {  	[sflag:s0] =	ssyncadd.s32 @!p0 s1  }
0xf6: {  	[bflag:$0x3] =	sbarrier.arrive $0xFFFF  }
0xf7: {  	_ =	shalt  }

</sc_bundles>
